<compile_context>
chip_gen: v7x
topology: tpu7x:2x2x1
jax: 0.10.2.dev20260603
libtpu: 0.0.44.dev20260713+nightly
codegen_flags: <defaults>
</compile_context>

<pallas_src>
import jax
import jax.numpy as jnp
from jax import lax
from jax.experimental import pallas as pl
from jax.experimental.pallas import tpu as pltpu
from jax.experimental.pallas import tpu_sc as plsc

N = 10000
E = 320000
F = 128
H = 256

BN = 256
NP = 10240
NBLK = NP // BN

DT = 128
NW = 32
CH = 125
NCH = 80
EPAD = NW * NCH * CH

_f32 = jnp.float32


def _leaky(x):
    return jnp.where(x > 0, x, 0.1 * x)


def _prep_body(delay_ref, feat_ref, pw1_ref, pb1_ref, cfold_ref, c0_ref,
               sw1t_ref, sb1_ref, sw2t_ref, sb2_ref,
               table_ref, dmax_ref, hs_ref):
    d = delay_ref[...]
    z = d * pw1_ref[...] + pb1_ref[...]
    mid = _leaky(z)
    table_ref[...] = (
        jnp.dot(mid, cfold_ref[...], preferred_element_type=_f32, precision=lax.Precision.HIGHEST) + c0_ref[...]
    )
    i = pl.program_id(0)
    m = jnp.max(d, keepdims=True)
    prev = jnp.where(i == 0, jnp.full((1, 1), -jnp.inf, _f32), dmax_ref[...])
    dmax_ref[...] = jnp.maximum(prev, m)
    s1 = _leaky(
        jnp.dot(feat_ref[...], sw1t_ref[...], preferred_element_type=_f32, precision=lax.Precision.HIGHEST)
        + sb1_ref[...]
    )
    hs_ref[...] = (
        jnp.dot(s1, sw2t_ref[...], preferred_element_type=_f32, precision=lax.Precision.HIGHEST) + sb2_ref[...]
    )


def _prep_call(delay_p, feat_p, pw1, pb1, cfold, c0, sw1t, sb1, sw2t, sb2):
    full = lambda r, c: pl.BlockSpec((r, c), lambda i: (0, 0))
    return pl.pallas_call(
        _prep_body,
        grid=(NBLK,),
        in_specs=[
            pl.BlockSpec((BN, 1), lambda i: (i, 0)),
            pl.BlockSpec((BN, F), lambda i: (i, 0)),
            full(1, 128), full(1, 128),
            full(128, 128), full(1, 128),
            full(F, 128), full(1, 128), full(128, H), full(1, H),
        ],
        out_specs=[
            pl.BlockSpec((BN, DT), lambda i: (i, 0)),
            pl.BlockSpec((1, 1), lambda i: (0, 0)),
            pl.BlockSpec((BN, H), lambda i: (i, 0)),
        ],
        out_shape=[
            jax.ShapeDtypeStruct((NP, DT), _f32),
            jax.ShapeDtypeStruct((1, 1), _f32),
            jax.ShapeDtypeStruct((NP, H), _f32),
        ],
    )(delay_p, feat_p, pw1, pb1, cfold, c0, sw1t, sb1, sw2t, sb2)


NB = 2
NPH = 2
HCH = NCH // NPH


def _seg_body(table_hbm, src_hbm, dst_hbm, zeros_hbm, out_hbm,
              src_v, dst_v, rows_v, acc_sh, gs0, gs1):
    gsems = (gs0, gs1)
    cid = lax.axis_index("c")
    sid = lax.axis_index("s")
    wid = cid * 16 + sid
    rpt = NP // 16
    for r in range(rpt // 128):
        pltpu.sync_copy(zeros_hbm,
                        acc_sh.at[pl.ds(sid * rpt + r * 128, 128)])
    plsc.subcore_barrier()

    def gst(j, b):
        pltpu.async_copy(table_hbm.at[src_v.at[j]], rows_v.at[b], gsems[b])

    def gwt(j, b):
        pltpu.make_async_copy(table_hbm.at[src_v.at[j]], rows_v.at[b],
                              gsems[b]).wait()

    for phase in range(NPH):
        base = wid * NCH + phase * HCH
        pltpu.sync_copy(src_hbm.at[pl.ds(base, HCH)], src_v)
        pltpu.sync_copy(dst_hbm.at[pl.ds(base, HCH)], dst_v)
        gst(0, 0)

        def body(i, carry):
            j0 = 2 * i
            j1 = 2 * i + 1
            gst(j1, 1)
            gwt(j0, 0)
            pltpu.sync_copy(rows_v.at[0], acc_sh.at[dst_v.at[j0]], add=True)

            @pl.when(j1 + 1 < HCH)
            def _():
                gst(j1 + 1, 0)

            gwt(j1, 1)
            pltpu.sync_copy(rows_v.at[1], acc_sh.at[dst_v.at[j1]], add=True)
            return carry

        lax.fori_loop(0, HCH // 2, body, 0)

    plsc.subcore_barrier()
    pltpu.sync_copy(acc_sh.at[pl.ds(sid * rpt, rpt)],
                    out_hbm.at[cid, pl.ds(sid * rpt, rpt)])


def _seg_call(table, src_p, dst_p, zeros_hbm):
    return pl.kernel(
        _seg_body,
        out_type=jax.ShapeDtypeStruct((2, NP, DT), _f32),
        mesh=plsc.VectorSubcoreMesh(core_axis_name="c", subcore_axis_name="s",
                                    num_cores=2, num_subcores=16),
        scratch_types=[
            pltpu.VMEM((HCH, CH), jnp.int32),
            pltpu.VMEM((HCH, CH), jnp.int32),
            pltpu.VMEM((NB, CH, DT), _f32),
            pltpu.VMEM_SHARED((NP, DT), _f32),
            pltpu.SemaphoreType.DMA, pltpu.SemaphoreType.DMA,
        ],
    )(table, src_p, dst_p, zeros_hbm)


def _dense_body(accs_ref, hs_ref, ispo_ref, dmax_ref,
                nb1_ref, nw2t_ref, nb2_ref,
                gw1_ref, gb1_ref, gw2t_ref, gb2_ref,
                ow1at_ref, ow1bt_ref, ob1_ref, ow2t_ref, ob2_ref,
                out_ref):
    acc = accs_ref[0] + accs_ref[1]
    n1 = _leaky(acc + nb1_ref[...])
    hn = jnp.dot(n1, nw2t_ref[...], preferred_element_type=_f32, precision=lax.Precision.HIGHEST) + nb2_ref[...]
    h = hn + hs_ref[...]
    mask = ispo_ref[...] != 1
    h = jnp.where(mask, jnp.maximum(h, 0.0), h)
    dmax = dmax_ref[...]
    g1 = _leaky(dmax * gw1_ref[...] + gb1_ref[...])
    g = jnp.dot(g1, gw2t_ref[...], preferred_element_type=_f32, precision=lax.Precision.HIGHEST) + gb2_ref[...]
    r = jnp.dot(g, ow1bt_ref[...], preferred_element_type=_f32, precision=lax.Precision.HIGHEST)
    o1 = _leaky(
        jnp.dot(h, ow1at_ref[...], preferred_element_type=_f32, precision=lax.Precision.HIGHEST)
        + r + ob1_ref[...]
    )
    out_ref[...] = (
        jnp.dot(o1, ow2t_ref[...], preferred_element_type=_f32, precision=lax.Precision.HIGHEST) + ob2_ref[...]
    )


def _dense_call(accs, hs, ispo_p, dmax, nb1, nw2t, nb2,
                gw1, gb1, gw2t, gb2, ow1at, ow1bt, ob1, ow2t, ob2):
    full = lambda r, c: pl.BlockSpec((r, c), lambda i: (0, 0))
    return pl.pallas_call(
        _dense_body,
        grid=(NBLK,),
        in_specs=[
            pl.BlockSpec((2, BN, DT), lambda i: (0, i, 0)),
            pl.BlockSpec((BN, H), lambda i: (i, 0)),
            pl.BlockSpec((BN, 1), lambda i: (i, 0)),
            full(1, 1),
            full(1, 128), full(128, H), full(1, H),
            full(1, 128), full(1, 128), full(128, H), full(1, H),
            full(H, H), full(H, H), full(1, H), full(H, 1), full(1, 1),
        ],
        out_specs=pl.BlockSpec((BN, 1), lambda i: (i, 0)),
        out_shape=jax.ShapeDtypeStruct((NP, 1), _f32),
    )(accs, hs, ispo_p, dmax, nb1, nw2t, nb2,
      gw1, gb1, gw2t, gb2, ow1at, ow1bt, ob1, ow2t, ob2)


def kernel(feat, delay, edge_index, is_po,
           pi_W1, pi_b1, pi_W2, pi_b2,
           self_W1, self_b1, self_W2, self_b2,
           neigh_W1, neigh_b1, neigh_W2, neigh_b2,
           glob_W1, glob_b1, glob_W2, glob_b2,
           out_W1, out_b1, out_W2, out_b2):
    delay_p = jnp.pad(delay.astype(_f32), ((0, NP - N), (0, 0)),
                      constant_values=-1e30)
    feat_p = jnp.pad(feat.astype(_f32), ((0, NP - N), (0, 0)))
    ispo_p = jnp.pad(is_po.astype(jnp.int32).reshape(N, 1),
                     ((0, NP - N), (0, 0)))
    src_p = edge_index[0].astype(jnp.int32).reshape(NW * NCH, CH)
    dst_p = edge_index[1].astype(jnp.int32).reshape(NW * NCH, CH)
    zeros_hbm = jnp.zeros((128, DT), _f32)

    pw1 = pi_W1.reshape(1, 128)
    pb1 = pi_b1.reshape(1, 128)
    cfold = pi_W2.T @ neigh_W1.T
    c0 = (pi_b2 @ neigh_W1.T).reshape(1, 128)
    sw1t = self_W1.T
    sb1 = self_b1.reshape(1, 128)
    sw2t = self_W2.T
    sb2 = self_b2.reshape(1, H)
    nb1 = neigh_b1.reshape(1, 128)
    nw2t = neigh_W2.T
    nb2 = neigh_b2.reshape(1, H)
    gw1 = glob_W1.reshape(1, 128)
    gb1 = glob_b1.reshape(1, 128)
    gw2t = glob_W2.T
    gb2 = glob_b2.reshape(1, H)
    ow1at = out_W1[:, :H].T
    ow1bt = out_W1[:, H:].T
    ob1 = out_b1.reshape(1, H)
    ow2t = out_W2.T
    ob2 = out_b2.reshape(1, 1)

    table, dmax, hs = _prep_call(delay_p, feat_p, pw1, pb1, cfold, c0,
                                 sw1t, sb1, sw2t, sb2)
    accs = _seg_call(table, src_p, dst_p, zeros_hbm)
    out_p = _dense_call(accs, hs, ispo_p, dmax, nb1,
                        nw2t, nb2, gw1, gb1, gw2t, gb2,
                        ow1at, ow1bt, ob1, ow2t, ob2)
    return out_p[:N]

# --- scband reference (transcript-rebuilt; emitter-appended) ---
"""Pipeline reference for scband-time-conv-48284022342091 (READ-ONLY COPY).

The authoritative reference and input builder live on the scoring server;
editing this copy changes nothing except your own understanding.
"""

import jax, jax.numpy as jnp
import numpy as np

N = 10000
E = 320000
F = 128
H = 256


def _mlp(x, W1, b1, W2, b2):
    h = x @ W1.T + b1
    h = jnp.where(h > 0, h, 0.1 * h)  # LeakyReLU(0.1)
    return h @ W2.T + b2


def _lin_init(k, out_dim, in_dim):
    kw, kb = jax.random.split(k)
    s = 1.0 / np.sqrt(in_dim)
    W = jax.random.uniform(kw, (out_dim, in_dim), minval=-s, maxval=s, dtype=jnp.float32)
    b = jax.random.uniform(kb, (out_dim,), minval=-s, maxval=s, dtype=jnp.float32)
    return W, b


def setup_inputs(seed: int = 0) -> dict:
    key = jax.random.key(seed)
    ks = jax.random.split(key, 14)
    feat = jax.random.normal(ks[0], (N, F), dtype=jnp.float32)
    delay = jax.random.uniform(ks[1], (N, 1), dtype=jnp.float32)
    edge_index = jax.random.randint(ks[2], (2, E), 0, N)
    is_po = jax.random.randint(ks[3], (N,), 0, 2)
    pi_W1, pi_b1 = _lin_init(ks[4], H // 2, 1)
    pi_W2, pi_b2 = _lin_init(ks[5], H, H // 2)
    self_W1, self_b1 = _lin_init(ks[6], H // 2, F)
    self_W2, self_b2 = _lin_init(ks[7], H, H // 2)
    neigh_W1, neigh_b1 = _lin_init(ks[8], H // 2, H)
    neigh_W2, neigh_b2 = _lin_init(ks[9], H, H // 2)
    glob_W1, glob_b1 = _lin_init(ks[10], H // 2, 1)
    glob_W2, glob_b2 = _lin_init(ks[11], H, H // 2)
    out_W1, out_b1 = _lin_init(ks[12], H, 2 * H)
    out_W2, out_b2 = _lin_init(ks[13], 1, H)
    return {
        'feat': feat, 'delay': delay, 'edge_index': edge_index, 'is_po': is_po,
        'pi_W1': pi_W1, 'pi_b1': pi_b1, 'pi_W2': pi_W2, 'pi_b2': pi_b2,
        'self_W1': self_W1, 'self_b1': self_b1, 'self_W2': self_W2, 'self_b2': self_b2,
        'neigh_W1': neigh_W1, 'neigh_b1': neigh_b1, 'neigh_W2': neigh_W2, 'neigh_b2': neigh_b2,
        'glob_W1': glob_W1, 'glob_b1': glob_b1, 'glob_W2': glob_W2, 'glob_b2': glob_b2,
        'out_W1': out_W1, 'out_b1': out_b1, 'out_W2': out_W2, 'out_b2': out_b2,
    }


def reference(feat, delay, edge_index, is_po,
              pi_W1, pi_b1, pi_W2, pi_b2,
              self_W1, self_b1, self_W2, self_b2,
              neigh_W1, neigh_b1, neigh_W2, neigh_b2,
              glob_W1, glob_b1, glob_W2, glob_b2,
              out_W1, out_b1, out_W2, out_b2):
    # Level-0 (PI) embedding: mlp_pi(delay)
    h_pi = _mlp(delay, pi_W1, pi_b1, pi_W2, pi_b2)
    # Message passing (copy_src 'h' -> sum reduce into 'neigh'), homogeneous path
    src = edge_index[0]
    dst = edge_index[1]
    msgs = jnp.take(h_pi, src, axis=0)
    neigh = jax.ops.segment_sum(msgs, dst, num_segments=N)
    # nodes_func (flag_attn=False): mlp_neigh(neigh) + mlp_self(feat), ReLU on non-PO nodes
    h = _mlp(neigh, neigh_W1, neigh_b1, neigh_W2, neigh_b2) + _mlp(feat, self_W1, self_b1, self_W2, self_b2)
    mask = (is_po != 1)
    h = jnp.where(mask[:, None], jax.nn.relu(h), h)
    # Global branch (flag_global=True): mlp_global over global max delay, broadcast to nodes
    g = _mlp(jnp.max(delay, axis=0, keepdims=True), glob_W1, glob_b1, glob_W2, glob_b2)
    hg = jnp.broadcast_to(g, (h.shape[0], g.shape[1]))
    # Readout: mlp_out on concat(h, hg) -> [N, 1]
    out = _mlp(jnp.concatenate([h, hg], axis=1), out_W1, out_b1, out_W2, out_b2)
    return out

if __name__ == "__main__":
    import jax
    _d = setup_inputs()
    print(jax.jit(kernel)(*tuple(_d.values())))

</pallas_src>

<mosaic_0001>
#map = affine_map<(d0, d1) -> (0, 0)>
#map1 = affine_map<(d0, d1) -> (0, 0, 0)>
module attributes {stable_mosaic.version = 14 : i64} {
  func.func @_seg_body(%arg0: i32, %arg1: i32, %arg2: memref<10240x128xf32, #tpu.memory_space<hbm>>, %arg3: memref<2560x125xi32, #tpu.memory_space<hbm>>, %arg4: memref<2560x125xi32, #tpu.memory_space<hbm>>, %arg5: memref<128x128xf32, #tpu.memory_space<hbm>>, %arg6: memref<2x10240x128xf32, #tpu.memory_space<hbm>>, %arg7: memref<40x125xi32, #tpu.memory_space<vmem>>, %arg8: memref<40x125xi32, #tpu.memory_space<vmem>>, %arg9: memref<2x125x128xf32, #tpu.memory_space<vmem>>, %arg10: memref<10240x128xf32, #tpu.memory_space<vmem_shared>>, %arg11: memref<!tpu.dma_semaphore, #tpu.memory_space<semaphore_mem>>, %arg12: memref<!tpu.dma_semaphore, #tpu.memory_space<semaphore_mem>>) attributes {dimension_semantics = [#tpu.dimension_semantics<core_parallel>, #tpu.dimension_semantics<subcore_parallel>], iteration_bounds = array<i64: 2, 16>, scalar_prefetch = 0 : i64, scratch_operands = 6 : i64, tpu.core_type = #tpu.core_type<sc_vector_subcore>, window_params = [{transform_indices = #map}, {transform_indices = #map}, {transform_indices = #map}, {transform_indices = #map}, {transform_indices = #map1}]} {
    %mul3A = arith.constant 16 : i32
    %mul3A_0 = arith.muli %arg0, %mul3A : i32
    %add3A = arith.addi %mul3A_0, %arg1 : i32
    %mul3A_1 = arith.constant 640 : i32
    %mul3A_2 = arith.muli %arg1, %mul3A_1 : i32
    %add3A_3 = arith.constant 0 : i32
    %add3A_4 = arith.addi %mul3A_2, %add3A_3 : i32
    "tpu.region"() ({
      %run_scoped3A = tpu.sem_alloc : memref<!tpu.dma_semaphore, #tpu.memory_space<semaphore_mem>>
      %dma_start3A_68 = arith.constant 0 : i32
      %dma_start3A_69 = tpu.memref_slice %arg10[%add3A_4, %dma_start3A_68] : memref<10240x128xf32, #tpu.memory_space<vmem_shared>> -> memref<128x128xf32, #tpu.memory_space<vmem_shared>>
      tpu.enqueue_dma source(%arg5 : memref<128x128xf32, #tpu.memory_space<hbm>>) target(%dma_start3A_69 : memref<128x128xf32, #tpu.memory_space<vmem_shared>>) target_semaphore(%run_scoped3A : memref<!tpu.dma_semaphore, #tpu.memory_space<semaphore_mem>>)
      %dma_wait3A = arith.constant 0 : i32
      %dma_wait3A_70 = tpu.memref_slice %arg10[%add3A_4, %dma_wait3A] : memref<10240x128xf32, #tpu.memory_space<vmem_shared>> -> memref<128x128xf32, #tpu.memory_space<vmem_shared>>
      tpu.wait_dma2 semaphore(%run_scoped3A : memref<!tpu.dma_semaphore, #tpu.memory_space<semaphore_mem>>) src(%arg5 : memref<128x128xf32, #tpu.memory_space<hbm>>) dst(%dma_wait3A_70 : memref<128x128xf32, #tpu.memory_space<vmem_shared>>)
      tpu.yield
    }) : () -> ()
    %mul3A_5 = arith.constant 640 : i32
    %mul3A_6 = arith.muli %arg1, %mul3A_5 : i32
    %add3A_7 = arith.constant 128 : i32
    %add3A_8 = arith.addi %mul3A_6, %add3A_7 : i32
    "tpu.region"() ({
      %run_scoped3A = tpu.sem_alloc : memref<!tpu.dma_semaphore, #tpu.memory_space<semaphore_mem>>
      %dma_start3A_68 = arith.constant 0 : i32
      %dma_start3A_69 = tpu.memref_slice %arg10[%add3A_8, %dma_start3A_68] : memref<10240x128xf32, #tpu.memory_space<vmem_shared>> -> memref<128x128xf32, #tpu.memory_space<vmem_shared>>
      tpu.enqueue_dma source(%arg5 : memref<128x128xf32, #tpu.memory_space<hbm>>) target(%dma_start3A_69 : memref<128x128xf32, #tpu.memory_space<vmem_shared>>) target_semaphore(%run_scoped3A : memref<!tpu.dma_semaphore, #tpu.memory_space<semaphore_mem>>)
      %dma_wait3A = arith.constant 0 : i32
      %dma_wait3A_70 = tpu.memref_slice %arg10[%add3A_8, %dma_wait3A] : memref<10240x128xf32, #tpu.memory_space<vmem_shared>> -> memref<128x128xf32, #tpu.memory_space<vmem_shared>>
      tpu.wait_dma2 semaphore(%run_scoped3A : memref<!tpu.dma_semaphore, #tpu.memory_space<semaphore_mem>>) src(%arg5 : memref<128x128xf32, #tpu.memory_space<hbm>>) dst(%dma_wait3A_70 : memref<128x128xf32, #tpu.memory_space<vmem_shared>>)
      tpu.yield
    }) : () -> ()
    %mul3A_9 = arith.constant 640 : i32
    %mul3A_10 = arith.muli %arg1, %mul3A_9 : i32
    %add3A_11 = arith.constant 256 : i32
    %add3A_12 = arith.addi %mul3A_10, %add3A_11 : i32
    "tpu.region"() ({
      %run_scoped3A = tpu.sem_alloc : memref<!tpu.dma_semaphore, #tpu.memory_space<semaphore_mem>>
      %dma_start3A_68 = arith.constant 0 : i32
      %dma_start3A_69 = tpu.memref_slice %arg10[%add3A_12, %dma_start3A_68] : memref<10240x128xf32, #tpu.memory_space<vmem_shared>> -> memref<128x128xf32, #tpu.memory_space<vmem_shared>>
      tpu.enqueue_dma source(%arg5 : memref<128x128xf32, #tpu.memory_space<hbm>>) target(%dma_start3A_69 : memref<128x128xf32, #tpu.memory_space<vmem_shared>>) target_semaphore(%run_scoped3A : memref<!tpu.dma_semaphore, #tpu.memory_space<semaphore_mem>>)
      %dma_wait3A = arith.constant 0 : i32
      %dma_wait3A_70 = tpu.memref_slice %arg10[%add3A_12, %dma_wait3A] : memref<10240x128xf32, #tpu.memory_space<vmem_shared>> -> memref<128x128xf32, #tpu.memory_space<vmem_shared>>
      tpu.wait_dma2 semaphore(%run_scoped3A : memref<!tpu.dma_semaphore, #tpu.memory_space<semaphore_mem>>) src(%arg5 : memref<128x128xf32, #tpu.memory_space<hbm>>) dst(%dma_wait3A_70 : memref<128x128xf32, #tpu.memory_space<vmem_shared>>)
      tpu.yield
    }) : () -> ()
    %mul3A_13 = arith.constant 640 : i32
    %mul3A_14 = arith.muli %arg1, %mul3A_13 : i32
    %add3A_15 = arith.constant 384 : i32
    %add3A_16 = arith.addi %mul3A_14, %add3A_15 : i32
    "tpu.region"() ({
      %run_scoped3A = tpu.sem_alloc : memref<!tpu.dma_semaphore, #tpu.memory_space<semaphore_mem>>
      %dma_start3A_68 = arith.constant 0 : i32
      %dma_start3A_69 = tpu.memref_slice %arg10[%add3A_16, %dma_start3A_68] : memref<10240x128xf32, #tpu.memory_space<vmem_shared>> -> memref<128x128xf32, #tpu.memory_space<vmem_shared>>
      tpu.enqueue_dma source(%arg5 : memref<128x128xf32, #tpu.memory_space<hbm>>) target(%dma_start3A_69 : memref<128x128xf32, #tpu.memory_space<vmem_shared>>) target_semaphore(%run_scoped3A : memref<!tpu.dma_semaphore, #tpu.memory_space<semaphore_mem>>)
      %dma_wait3A = arith.constant 0 : i32
      %dma_wait3A_70 = tpu.memref_slice %arg10[%add3A_16, %dma_wait3A] : memref<10240x128xf32, #tpu.memory_space<vmem_shared>> -> memref<128x128xf32, #tpu.memory_space<vmem_shared>>
      tpu.wait_dma2 semaphore(%run_scoped3A : memref<!tpu.dma_semaphore, #tpu.memory_space<semaphore_mem>>) src(%arg5 : memref<128x128xf32, #tpu.memory_space<hbm>>) dst(%dma_wait3A_70 : memref<128x128xf32, #tpu.memory_space<vmem_shared>>)
      tpu.yield
    }) : () -> ()
    %mul3A_17 = arith.constant 640 : i32
    %mul3A_18 = arith.muli %arg1, %mul3A_17 : i32
    %add3A_19 = arith.constant 512 : i32
    %add3A_20 = arith.addi %mul3A_18, %add3A_19 : i32
    "tpu.region"() ({
      %run_scoped3A = tpu.sem_alloc : memref<!tpu.dma_semaphore, #tpu.memory_space<semaphore_mem>>
      %dma_start3A_68 = arith.constant 0 : i32
      %dma_start3A_69 = tpu.memref_slice %arg10[%add3A_20, %dma_start3A_68] : memref<10240x128xf32, #tpu.memory_space<vmem_shared>> -> memref<128x128xf32, #tpu.memory_space<vmem_shared>>
      tpu.enqueue_dma source(%arg5 : memref<128x128xf32, #tpu.memory_space<hbm>>) target(%dma_start3A_69 : memref<128x128xf32, #tpu.memory_space<vmem_shared>>) target_semaphore(%run_scoped3A : memref<!tpu.dma_semaphore, #tpu.memory_space<semaphore_mem>>)
      %dma_wait3A = arith.constant 0 : i32
      %dma_wait3A_70 = tpu.memref_slice %arg10[%add3A_20, %dma_wait3A] : memref<10240x128xf32, #tpu.memory_space<vmem_shared>> -> memref<128x128xf32, #tpu.memory_space<vmem_shared>>
      tpu.wait_dma2 semaphore(%run_scoped3A : memref<!tpu.dma_semaphore, #tpu.memory_space<semaphore_mem>>) src(%arg5 : memref<128x128xf32, #tpu.memory_space<hbm>>) dst(%dma_wait3A_70 : memref<128x128xf32, #tpu.memory_space<vmem_shared>>)
      tpu.yield
    }) : () -> ()
    %barrier3A = arith.constant 0 : index
    tpu.barrier barrier_id(%barrier3A)
    %mul3A_21 = arith.constant 80 : i32
    %mul3A_22 = arith.muli %add3A, %mul3A_21 : i32
    %add3A_23 = arith.constant 0 : i32
    %add3A_24 = arith.addi %mul3A_22, %add3A_23 : i32
    "tpu.region"() ({
      %run_scoped3A = tpu.sem_alloc : memref<!tpu.dma_semaphore, #tpu.memory_space<semaphore_mem>>
      %dma_start3A_68 = arith.constant 0 : i32
      %dma_start3A_69 = tpu.memref_slice %arg3[%add3A_24, %dma_start3A_68] : memref<2560x125xi32, #tpu.memory_space<hbm>> -> memref<40x125xi32, #tpu.memory_space<hbm>>
      %dma_start3A_70 = arith.constant 0 : i32
      %dma_start3A_71 = tpu.memref_slice %arg3[%add3A_24, %dma_start3A_70] : memref<2560x125xi32, #tpu.memory_space<hbm>> -> memref<40x125xi32, #tpu.memory_space<hbm>>
      tpu.enqueue_dma source(%dma_start3A_71 : memref<40x125xi32, #tpu.memory_space<hbm>>) target(%arg7 : memref<40x125xi32, #tpu.memory_space<vmem>>) target_semaphore(%run_scoped3A : memref<!tpu.dma_semaphore, #tpu.memory_space<semaphore_mem>>)
      %dma_wait3A = arith.constant 0 : i32
      %dma_wait3A_72 = tpu.memref_slice %arg3[%add3A_24, %dma_wait3A] : memref<2560x125xi32, #tpu.memory_space<hbm>> -> memref<40x125xi32, #tpu.memory_space<hbm>>
      %dma_wait3A_73 = arith.constant 0 : i32
      %dma_wait3A_74 = tpu.memref_slice %arg3[%add3A_24, %dma_wait3A_73] : memref<2560x125xi32, #tpu.memory_space<hbm>> -> memref<40x125xi32, #tpu.memory_space<hbm>>
      tpu.wait_dma2 semaphore(%run_scoped3A : memref<!tpu.dma_semaphore, #tpu.memory_space<semaphore_mem>>) src(%dma_wait3A_74 : memref<40x125xi32, #tpu.memory_space<hbm>>) dst(%arg7 : memref<40x125xi32, #tpu.memory_space<vmem>>)
      tpu.yield
    }) : () -> ()
    "tpu.region"() ({
      %run_scoped3A = tpu.sem_alloc : memref<!tpu.dma_semaphore, #tpu.memory_space<semaphore_mem>>
      %dma_start3A_68 = arith.constant 0 : i32
      %dma_start3A_69 = tpu.memref_slice %arg4[%add3A_24, %dma_start3A_68] : memref<2560x125xi32, #tpu.memory_space<hbm>> -> memref<40x125xi32, #tpu.memory_space<hbm>>
      %dma_start3A_70 = arith.constant 0 : i32
      %dma_start3A_71 = tpu.memref_slice %arg4[%add3A_24, %dma_start3A_70] : memref<2560x125xi32, #tpu.memory_space<hbm>> -> memref<40x125xi32, #tpu.memory_space<hbm>>
      tpu.enqueue_dma source(%dma_start3A_71 : memref<40x125xi32, #tpu.memory_space<hbm>>) target(%arg8 : memref<40x125xi32, #tpu.memory_space<vmem>>) target_semaphore(%run_scoped3A : memref<!tpu.dma_semaphore, #tpu.memory_space<semaphore_mem>>)
      %dma_wait3A = arith.constant 0 : i32
      %dma_wait3A_72 = tpu.memref_slice %arg4[%add3A_24, %dma_wait3A] : memref<2560x125xi32, #tpu.memory_space<hbm>> -> memref<40x125xi32, #tpu.memory_space<hbm>>
      %dma_wait3A_73 = arith.constant 0 : i32
      %dma_wait3A_74 = tpu.memref_slice %arg4[%add3A_24, %dma_wait3A_73] : memref<2560x125xi32, #tpu.memory_space<hbm>> -> memref<40x125xi32, #tpu.memory_space<hbm>>
      tpu.wait_dma2 semaphore(%run_scoped3A : memref<!tpu.dma_semaphore, #tpu.memory_space<semaphore_mem>>) src(%dma_wait3A_74 : memref<40x125xi32, #tpu.memory_space<hbm>>) dst(%arg8 : memref<40x125xi32, #tpu.memory_space<vmem>>)
      tpu.yield
    }) : () -> ()
    %dma_start3A = arith.constant 0 : i32
    %dma_start3A_25 = arith.constant 0 : i32
    %dma_start3A_26 = arith.constant 0 : i32
    %dma_start3A_27 = arith.constant 0 : i32
    %dma_start3A_28 = tpu.memref_slice %arg9[%dma_start3A_25, %dma_start3A_26, %dma_start3A_27] : memref<2x125x128xf32, #tpu.memory_space<vmem>> -> memref<1x125x128xf32, #tpu.memory_space<vmem>>
    %dma_start3A_29 = tpu.memref_squeeze %dma_start3A_28 : memref<1x125x128xf32, #tpu.memory_space<vmem>> -> memref<125x128xf32, #tpu.memory_space<vmem>>
    %dma_start3A_30 = arith.constant 0 : i32
    %dma_start3A_31 = tpu.memref_slice %arg7[%dma_start3A, %dma_start3A_30] : memref<40x125xi32, #tpu.memory_space<vmem>> -> memref<1x125xi32, #tpu.memory_space<vmem>>
    %dma_start3A_32 = tpu.memref_squeeze %dma_start3A_31 : memref<1x125xi32, #tpu.memory_space<vmem>> -> memref<125xi32, #tpu.memory_space<vmem>>
    %dma_start3A_33 = arith.constant 0 : i32
    %dma_start3A_34 = arith.constant 0 : i32
    %dma_start3A_35 = tpu.memref_slice %arg2[%dma_start3A_33, %dma_start3A_34] : memref<10240x128xf32, #tpu.memory_space<hbm>> -> memref<10240x128xf32, #tpu.memory_space<hbm>>
    tpu.enqueue_indirect_dma source(%dma_start3A_35 : memref<10240x128xf32, #tpu.memory_space<hbm>>) target(%dma_start3A_29 : memref<125x128xf32, #tpu.memory_space<vmem>>) offsets(%dma_start3A_32 : memref<125xi32, #tpu.memory_space<vmem>>) semaphore(%arg11 : memref<!tpu.dma_semaphore, #tpu.memory_space<semaphore_mem>>)
    %scan3A = arith.constant 0 : i32
    %scan3A_36 = arith.constant 0 : i32
    %scan3A_37 = arith.constant 20 : i32
    %scan3A_38 = arith.addi %scan3A_36, %scan3A_37 : i32
    %scan3A_39 = arith.constant 1 : i32
    scf.for %scan3A_68 = %scan3A_36 to %scan3A_38 step %scan3A_39  : i32 {
      %mul3A_69 = arith.constant 2 : i32
      %mul3A_70 = arith.muli %mul3A_69, %scan3A_68 : i32
      %mul3A_71 = arith.constant 2 : i32
      %mul3A_72 = arith.muli %mul3A_71, %scan3A_68 : i32
      %add3A_73 = arith.constant 1 : i32
      %add3A_74 = arith.addi %mul3A_72, %add3A_73 : i32
      %dma_start3A_75 = arith.constant 1 : i32
      %dma_start3A_76 = arith.constant 0 : i32
      %dma_start3A_77 = arith.constant 0 : i32
      %dma_start3A_78 = tpu.memref_slice %arg9[%dma_start3A_75, %dma_start3A_76, %dma_start3A_77] : memref<2x125x128xf32, #tpu.memory_space<vmem>> -> memref<1x125x128xf32, #tpu.memory_space<vmem>>
      %dma_start3A_79 = tpu.memref_squeeze %dma_start3A_78 : memref<1x125x128xf32, #tpu.memory_space<vmem>> -> memref<125x128xf32, #tpu.memory_space<vmem>>
      %dma_start3A_80 = arith.constant 0 : i32
      %dma_start3A_81 = tpu.memref_slice %arg7[%add3A_74, %dma_start3A_80] : memref<40x125xi32, #tpu.memory_space<vmem>> -> memref<1x125xi32, #tpu.memory_space<vmem>>
      %dma_start3A_82 = tpu.memref_squeeze %dma_start3A_81 : memref<1x125xi32, #tpu.memory_space<vmem>> -> memref<125xi32, #tpu.memory_space<vmem>>
      %dma_start3A_83 = arith.constant 0 : i32
      %dma_start3A_84 = arith.constant 0 : i32
      %dma_start3A_85 = tpu.memref_slice %arg2[%dma_start3A_83, %dma_start3A_84] : memref<10240x128xf32, #tpu.memory_space<hbm>> -> memref<10240x128xf32, #tpu.memory_space<hbm>>
      tpu.enqueue_indirect_dma source(%dma_start3A_85 : memref<10240x128xf32, #tpu.memory_space<hbm>>) target(%dma_start3A_79 : memref<125x128xf32, #tpu.memory_space<vmem>>) offsets(%dma_start3A_82 : memref<125xi32, #tpu.memory_space<vmem>>) semaphore(%arg12 : memref<!tpu.dma_semaphore, #tpu.memory_space<semaphore_mem>>)
      %dma_wait3A = arith.constant 0 : i32
      %dma_wait3A_86 = arith.constant 0 : i32
      %dma_wait3A_87 = arith.constant 0 : i32
      %dma_wait3A_88 = tpu.memref_slice %arg9[%dma_wait3A, %dma_wait3A_86, %dma_wait3A_87] : memref<2x125x128xf32, #tpu.memory_space<vmem>> -> memref<1x125x128xf32, #tpu.memory_space<vmem>>
      %dma_wait3A_89 = tpu.memref_squeeze %dma_wait3A_88 : memref<1x125x128xf32, #tpu.memory_space<vmem>> -> memref<125x128xf32, #tpu.memory_space<vmem>>
      %dma_wait3A_90 = arith.constant 0 : i32
      %dma_wait3A_91 = tpu.memref_slice %arg7[%mul3A_70, %dma_wait3A_90] : memref<40x125xi32, #tpu.memory_space<vmem>> -> memref<1x125xi32, #tpu.memory_space<vmem>>
      %dma_wait3A_92 = tpu.memref_squeeze %dma_wait3A_91 : memref<1x125xi32, #tpu.memory_space<vmem>> -> memref<125xi32, #tpu.memory_space<vmem>>
      %dma_wait3A_93 = arith.constant 0 : i32
      %dma_wait3A_94 = arith.constant 0 : i32
      %dma_wait3A_95 = tpu.memref_slice %arg2[%dma_wait3A_93, %dma_wait3A_94] : memref<10240x128xf32, #tpu.memory_space<hbm>> -> memref<10240x128xf32, #tpu.memory_space<hbm>>
      tpu.wait_indirect_dma semaphore(%arg11 : memref<!tpu.dma_semaphore, #tpu.memory_space<semaphore_mem>>) src(%dma_wait3A_95 : memref<10240x128xf32, #tpu.memory_space<hbm>>) dst(%dma_wait3A_89 : memref<125x128xf32, #tpu.memory_space<vmem>>)
      %run_scoped3A = arith.constant 0 : i32
      "tpu.region"() ({
        %run_scoped3A_112 = tpu.sem_alloc : memref<!tpu.dma_semaphore, #tpu.memory_space<semaphore_mem>>
        %dma_start3A_113 = arith.constant 0 : i32
        %dma_start3A_114 = arith.constant 0 : i32
        %dma_start3A_115 = tpu.memref_slice %arg9[%run_scoped3A, %dma_start3A_113, %dma_start3A_114] : memref<2x125x128xf32, #tpu.memory_space<vmem>> -> memref<1x125x128xf32, #tpu.memory_space<vmem>>
        %dma_start3A_116 = tpu.memref_squeeze %dma_start3A_115 : memref<1x125x128xf32, #tpu.memory_space<vmem>> -> memref<125x128xf32, #tpu.memory_space<vmem>>
        %dma_start3A_117 = arith.constant 0 : i32
        %dma_start3A_118 = tpu.memref_slice %arg8[%mul3A_70, %dma_start3A_117] : memref<40x125xi32, #tpu.memory_space<vmem>> -> memref<1x125xi32, #tpu.memory_space<vmem>>
        %dma_start3A_119 = tpu.memref_squeeze %dma_start3A_118 : memref<1x125xi32, #tpu.memory_space<vmem>> -> memref<125xi32, #tpu.memory_space<vmem>>
        %dma_start3A_120 = arith.constant 0 : i32
        %dma_start3A_121 = arith.constant 0 : i32
        %dma_start3A_122 = tpu.memref_slice %arg10[%dma_start3A_120, %dma_start3A_121] : memref<10240x128xf32, #tpu.memory_space<vmem_shared>> -> memref<10240x128xf32, #tpu.memory_space<vmem_shared>>
        tpu.enqueue_indirect_dma source(%dma_start3A_116 : memref<125x128xf32, #tpu.memory_space<vmem>>) target(%dma_start3A_122 : memref<10240x128xf32, #tpu.memory_space<vmem_shared>>) offsets(%dma_start3A_119 : memref<125xi32, #tpu.memory_space<vmem>>) semaphore(%run_scoped3A_112 : memref<!tpu.dma_semaphore, #tpu.memory_space<semaphore_mem>>) {add = true}
        %dma_wait3A_123 = arith.constant 0 : i32
        %dma_wait3A_124 = arith.constant 0 : i32
        %dma_wait3A_125 = tpu.memref_slice %arg9[%run_scoped3A, %dma_wait3A_123, %dma_wait3A_124] : memref<2x125x128xf32, #tpu.memory_space<vmem>> -> memref<1x125x128xf32, #tpu.memory_space<vmem>>
        %dma_wait3A_126 = tpu.memref_squeeze %dma_wait3A_125 : memref<1x125x128xf32, #tpu.memory_space<vmem>> -> memref<125x128xf32, #tpu.memory_space<vmem>>
        %dma_wait3A_127 = arith.constant 0 : i32
        %dma_wait3A_128 = tpu.memref_slice %arg8[%mul3A_70, %dma_wait3A_127] : memref<40x125xi32, #tpu.memory_space<vmem>> -> memref<1x125xi32, #tpu.memory_space<vmem>>
        %dma_wait3A_129 = tpu.memref_squeeze %dma_wait3A_128 : memref<1x125xi32, #tpu.memory_space<vmem>> -> memref<125xi32, #tpu.memory_space<vmem>>
        %dma_wait3A_130 = arith.constant 0 : i32
        %dma_wait3A_131 = arith.constant 0 : i32
        %dma_wait3A_132 = tpu.memref_slice %arg10[%dma_wait3A_130, %dma_wait3A_131] : memref<10240x128xf32, #tpu.memory_space<vmem_shared>> -> memref<10240x128xf32, #tpu.memory_space<vmem_shared>>
        tpu.wait_indirect_dma semaphore(%run_scoped3A_112 : memref<!tpu.dma_semaphore, #tpu.memory_space<semaphore_mem>>) src(%dma_wait3A_126 : memref<125x128xf32, #tpu.memory_space<vmem>>) dst(%dma_wait3A_132 : memref<10240x128xf32, #tpu.memory_space<vmem_shared>>)
        tpu.yield
      }) : () -> ()
      %add3A_96 = arith.constant 1 : i32
      %add3A_97 = arith.addi %add3A_74, %add3A_96 : i32
      %lt3A = arith.constant 40 : i32
      %lt3A_98 = arith.cmpi slt, %add3A_97, %lt3A : i32
      %convert_element_type3A = arith.extui %lt3A_98 : i1 to i32
      %cond3A = arith.constant 0 : i32
      %cond3A_99 = arith.cmpi ne, %convert_element_type3A, %cond3A : i32
      scf.if %cond3A_99 {
        %add3A_112 = arith.constant 1 : i32
        %add3A_113 = arith.addi %add3A_74, %add3A_112 : i32
        %dma_start3A_114 = arith.constant 0 : i32
        %dma_start3A_115 = arith.constant 0 : i32
        %dma_start3A_116 = arith.constant 0 : i32
        %dma_start3A_117 = tpu.memref_slice %arg9[%dma_start3A_114, %dma_start3A_115, %dma_start3A_116] : memref<2x125x128xf32, #tpu.memory_space<vmem>> -> memref<1x125x128xf32, #tpu.memory_space<vmem>>
        %dma_start3A_118 = tpu.memref_squeeze %dma_start3A_117 : memref<1x125x128xf32, #tpu.memory_space<vmem>> -> memref<125x128xf32, #tpu.memory_space<vmem>>
        %dma_start3A_119 = arith.constant 0 : i32
        %dma_start3A_120 = tpu.memref_slice %arg7[%add3A_113, %dma_start3A_119] : memref<40x125xi32, #tpu.memory_space<vmem>> -> memref<1x125xi32, #tpu.memory_space<vmem>>
        %dma_start3A_121 = tpu.memref_squeeze %dma_start3A_120 : memref<1x125xi32, #tpu.memory_space<vmem>> -> memref<125xi32, #tpu.memory_space<vmem>>
        %dma_start3A_122 = arith.constant 0 : i32
        %dma_start3A_123 = arith.constant 0 : i32
        %dma_start3A_124 = tpu.memref_slice %arg2[%dma_start3A_122, %dma_start3A_123] : memref<10240x128xf32, #tpu.memory_space<hbm>> -> memref<10240x128xf32, #tpu.memory_space<hbm>>
        tpu.enqueue_indirect_dma source(%dma_start3A_124 : memref<10240x128xf32, #tpu.memory_space<hbm>>) target(%dma_start3A_118 : memref<125x128xf32, #tpu.memory_space<vmem>>) offsets(%dma_start3A_121 : memref<125xi32, #tpu.memory_space<vmem>>) semaphore(%arg11 : memref<!tpu.dma_semaphore, #tpu.memory_space<semaphore_mem>>)
      } else {
      }
      %dma_wait3A_100 = arith.constant 1 : i32
      %dma_wait3A_101 = arith.constant 0 : i32
      %dma_wait3A_102 = arith.constant 0 : i32
      %dma_wait3A_103 = tpu.memref_slice %arg9[%dma_wait3A_100, %dma_wait3A_101, %dma_wait3A_102] : memref<2x125x128xf32, #tpu.memory_space<vmem>> -> memref<1x125x128xf32, #tpu.memory_space<vmem>>
      %dma_wait3A_104 = tpu.memref_squeeze %dma_wait3A_103 : memref<1x125x128xf32, #tpu.memory_space<vmem>> -> memref<125x128xf32, #tpu.memory_space<vmem>>
      %dma_wait3A_105 = arith.constant 0 : i32
      %dma_wait3A_106 = tpu.memref_slice %arg7[%add3A_74, %dma_wait3A_105] : memref<40x125xi32, #tpu.memory_space<vmem>> -> memref<1x125xi32, #tpu.memory_space<vmem>>
      %dma_wait3A_107 = tpu.memref_squeeze %dma_wait3A_106 : memref<1x125xi32, #tpu.memory_space<vmem>> -> memref<125xi32, #tpu.memory_space<vmem>>
      %dma_wait3A_108 = arith.constant 0 : i32
      %dma_wait3A_109 = arith.constant 0 : i32
      %dma_wait3A_110 = tpu.memref_slice %arg2[%dma_wait3A_108, %dma_wait3A_109] : memref<10240x128xf32, #tpu.memory_space<hbm>> -> memref<10240x128xf32, #tpu.memory_space<hbm>>
      tpu.wait_indirect_dma semaphore(%arg12 : memref<!tpu.dma_semaphore, #tpu.memory_space<semaphore_mem>>) src(%dma_wait3A_110 : memref<10240x128xf32, #tpu.memory_space<hbm>>) dst(%dma_wait3A_104 : memref<125x128xf32, #tpu.memory_space<vmem>>)
      %run_scoped3A_111 = arith.constant 1 : i32
      "tpu.region"() ({
        %run_scoped3A_112 = tpu.sem_alloc : memref<!tpu.dma_semaphore, #tpu.memory_space<semaphore_mem>>
        %dma_start3A_113 = arith.constant 0 : i32
        %dma_start3A_114 = arith.constant 0 : i32
        %dma_start3A_115 = tpu.memref_slice %arg9[%run_scoped3A_111, %dma_start3A_113, %dma_start3A_114] : memref<2x125x128xf32, #tpu.memory_space<vmem>> -> memref<1x125x128xf32, #tpu.memory_space<vmem>>
        %dma_start3A_116 = tpu.memref_squeeze %dma_start3A_115 : memref<1x125x128xf32, #tpu.memory_space<vmem>> -> memref<125x128xf32, #tpu.memory_space<vmem>>
        %dma_start3A_117 = arith.constant 0 : i32
        %dma_start3A_118 = tpu.memref_slice %arg8[%add3A_74, %dma_start3A_117] : memref<40x125xi32, #tpu.memory_space<vmem>> -> memref<1x125xi32, #tpu.memory_space<vmem>>
        %dma_start3A_119 = tpu.memref_squeeze %dma_start3A_118 : memref<1x125xi32, #tpu.memory_space<vmem>> -> memref<125xi32, #tpu.memory_space<vmem>>
        %dma_start3A_120 = arith.constant 0 : i32
        %dma_start3A_121 = arith.constant 0 : i32
        %dma_start3A_122 = tpu.memref_slice %arg10[%dma_start3A_120, %dma_start3A_121] : memref<10240x128xf32, #tpu.memory_space<vmem_shared>> -> memref<10240x128xf32, #tpu.memory_space<vmem_shared>>
        tpu.enqueue_indirect_dma source(%dma_start3A_116 : memref<125x128xf32, #tpu.memory_space<vmem>>) target(%dma_start3A_122 : memref<10240x128xf32, #tpu.memory_space<vmem_shared>>) offsets(%dma_start3A_119 : memref<125xi32, #tpu.memory_space<vmem>>) semaphore(%run_scoped3A_112 : memref<!tpu.dma_semaphore, #tpu.memory_space<semaphore_mem>>) {add = true}
        %dma_wait3A_123 = arith.constant 0 : i32
        %dma_wait3A_124 = arith.constant 0 : i32
        %dma_wait3A_125 = tpu.memref_slice %arg9[%run_scoped3A_111, %dma_wait3A_123, %dma_wait3A_124] : memref<2x125x128xf32, #tpu.memory_space<vmem>> -> memref<1x125x128xf32, #tpu.memory_space<vmem>>
        %dma_wait3A_126 = tpu.memref_squeeze %dma_wait3A_125 : memref<1x125x128xf32, #tpu.memory_space<vmem>> -> memref<125x128xf32, #tpu.memory_space<vmem>>
        %dma_wait3A_127 = arith.constant 0 : i32
        %dma_wait3A_128 = tpu.memref_slice %arg8[%add3A_74, %dma_wait3A_127] : memref<40x125xi32, #tpu.memory_space<vmem>> -> memref<1x125xi32, #tpu.memory_space<vmem>>
        %dma_wait3A_129 = tpu.memref_squeeze %dma_wait3A_128 : memref<1x125xi32, #tpu.memory_space<vmem>> -> memref<125xi32, #tpu.memory_space<vmem>>
        %dma_wait3A_130 = arith.constant 0 : i32
        %dma_wait3A_131 = arith.constant 0 : i32
        %dma_wait3A_132 = tpu.memref_slice %arg10[%dma_wait3A_130, %dma_wait3A_131] : memref<10240x128xf32, #tpu.memory_space<vmem_shared>> -> memref<10240x128xf32, #tpu.memory_space<vmem_shared>>
        tpu.wait_indirect_dma semaphore(%run_scoped3A_112 : memref<!tpu.dma_semaphore, #tpu.memory_space<semaphore_mem>>) src(%dma_wait3A_126 : memref<125x128xf32, #tpu.memory_space<vmem>>) dst(%dma_wait3A_132 : memref<10240x128xf32, #tpu.memory_space<vmem_shared>>)
        tpu.yield
      }) : () -> ()
    }
    %scan3A_40 = arith.constant 20 : i32
    %mul3A_41 = arith.constant 80 : i32
    %mul3A_42 = arith.muli %add3A, %mul3A_41 : i32
    %add3A_43 = arith.constant 40 : i32
    %add3A_44 = arith.addi %mul3A_42, %add3A_43 : i32
    "tpu.region"() ({
      %run_scoped3A = tpu.sem_alloc : memref<!tpu.dma_semaphore, #tpu.memory_space<semaphore_mem>>
      %dma_start3A_68 = arith.constant 0 : i32
      %dma_start3A_69 = tpu.memref_slice %arg3[%add3A_44, %dma_start3A_68] : memref<2560x125xi32, #tpu.memory_space<hbm>> -> memref<40x125xi32, #tpu.memory_space<hbm>>
      %dma_start3A_70 = arith.constant 0 : i32
      %dma_start3A_71 = tpu.memref_slice %arg3[%add3A_44, %dma_start3A_70] : memref<2560x125xi32, #tpu.memory_space<hbm>> -> memref<40x125xi32, #tpu.memory_space<hbm>>
      tpu.enqueue_dma source(%dma_start3A_71 : memref<40x125xi32, #tpu.memory_space<hbm>>) target(%arg7 : memref<40x125xi32, #tpu.memory_space<vmem>>) target_semaphore(%run_scoped3A : memref<!tpu.dma_semaphore, #tpu.memory_space<semaphore_mem>>)
      %dma_wait3A = arith.constant 0 : i32
      %dma_wait3A_72 = tpu.memref_slice %arg3[%add3A_44, %dma_wait3A] : memref<2560x125xi32, #tpu.memory_space<hbm>> -> memref<40x125xi32, #tpu.memory_space<hbm>>
      %dma_wait3A_73 = arith.constant 0 : i32
      %dma_wait3A_74 = tpu.memref_slice %arg3[%add3A_44, %dma_wait3A_73] : memref<2560x125xi32, #tpu.memory_space<hbm>> -> memref<40x125xi32, #tpu.memory_space<hbm>>
      tpu.wait_dma2 semaphore(%run_scoped3A : memref<!tpu.dma_semaphore, #tpu.memory_space<semaphore_mem>>) src(%dma_wait3A_74 : memref<40x125xi32, #tpu.memory_space<hbm>>) dst(%arg7 : memref<40x125xi32, #tpu.memory_space<vmem>>)
      tpu.yield
    }) : () -> ()
    "tpu.region"() ({
      %run_scoped3A = tpu.sem_alloc : memref<!tpu.dma_semaphore, #tpu.memory_space<semaphore_mem>>
      %dma_start3A_68 = arith.constant 0 : i32
      %dma_start3A_69 = tpu.memref_slice %arg4[%add3A_44, %dma_start3A_68] : memref<2560x125xi32, #tpu.memory_space<hbm>> -> memref<40x125xi32, #tpu.memory_space<hbm>>
      %dma_start3A_70 = arith.constant 0 : i32
      %dma_start3A_71 = tpu.memref_slice %arg4[%add3A_44, %dma_start3A_70] : memref<2560x125xi32, #tpu.memory_space<hbm>> -> memref<40x125xi32, #tpu.memory_space<hbm>>
      tpu.enqueue_dma source(%dma_start3A_71 : memref<40x125xi32, #tpu.memory_space<hbm>>) target(%arg8 : memref<40x125xi32, #tpu.memory_space<vmem>>) target_semaphore(%run_scoped3A : memref<!tpu.dma_semaphore, #tpu.memory_space<semaphore_mem>>)
      %dma_wait3A = arith.constant 0 : i32
      %dma_wait3A_72 = tpu.memref_slice %arg4[%add3A_44, %dma_wait3A] : memref<2560x125xi32, #tpu.memory_space<hbm>> -> memref<40x125xi32, #tpu.memory_space<hbm>>
      %dma_wait3A_73 = arith.constant 0 : i32
      %dma_wait3A_74 = tpu.memref_slice %arg4[%add3A_44, %dma_wait3A_73] : memref<2560x125xi32, #tpu.memory_space<hbm>> -> memref<40x125xi32, #tpu.memory_space<hbm>>
      tpu.wait_dma2 semaphore(%run_scoped3A : memref<!tpu.dma_semaphore, #tpu.memory_space<semaphore_mem>>) src(%dma_wait3A_74 : memref<40x125xi32, #tpu.memory_space<hbm>>) dst(%arg8 : memref<40x125xi32, #tpu.memory_space<vmem>>)
      tpu.yield
    }) : () -> ()
    %dma_start3A_45 = arith.constant 0 : i32
    %dma_start3A_46 = arith.constant 0 : i32
    %dma_start3A_47 = arith.constant 0 : i32
    %dma_start3A_48 = arith.constant 0 : i32
    %dma_start3A_49 = tpu.memref_slice %arg9[%dma_start3A_46, %dma_start3A_47, %dma_start3A_48] : memref<2x125x128xf32, #tpu.memory_space<vmem>> -> memref<1x125x128xf32, #tpu.memory_space<vmem>>
    %dma_start3A_50 = tpu.memref_squeeze %dma_start3A_49 : memref<1x125x128xf32, #tpu.memory_space<vmem>> -> memref<125x128xf32, #tpu.memory_space<vmem>>
    %dma_start3A_51 = arith.constant 0 : i32
    %dma_start3A_52 = tpu.memref_slice %arg7[%dma_start3A_45, %dma_start3A_51] : memref<40x125xi32, #tpu.memory_space<vmem>> -> memref<1x125xi32, #tpu.memory_space<vmem>>
    %dma_start3A_53 = tpu.memref_squeeze %dma_start3A_52 : memref<1x125xi32, #tpu.memory_space<vmem>> -> memref<125xi32, #tpu.memory_space<vmem>>
    %dma_start3A_54 = arith.constant 0 : i32
    %dma_start3A_55 = arith.constant 0 : i32
    %dma_start3A_56 = tpu.memref_slice %arg2[%dma_start3A_54, %dma_start3A_55] : memref<10240x128xf32, #tpu.memory_space<hbm>> -> memref<10240x128xf32, #tpu.memory_space<hbm>>
    tpu.enqueue_indirect_dma source(%dma_start3A_56 : memref<10240x128xf32, #tpu.memory_space<hbm>>) target(%dma_start3A_50 : memref<125x128xf32, #tpu.memory_space<vmem>>) offsets(%dma_start3A_53 : memref<125xi32, #tpu.memory_space<vmem>>) semaphore(%arg11 : memref<!tpu.dma_semaphore, #tpu.memory_space<semaphore_mem>>)
    %scan3A_57 = arith.constant 0 : i32
    %scan3A_58 = arith.constant 0 : i32
    %scan3A_59 = arith.constant 20 : i32
    %scan3A_60 = arith.addi %scan3A_58, %scan3A_59 : i32
    %scan3A_61 = arith.constant 1 : i32
    scf.for %scan3A_68 = %scan3A_58 to %scan3A_60 step %scan3A_61  : i32 {
      %mul3A_69 = arith.constant 2 : i32
      %mul3A_70 = arith.muli %mul3A_69, %scan3A_68 : i32
      %mul3A_71 = arith.constant 2 : i32
      %mul3A_72 = arith.muli %mul3A_71, %scan3A_68 : i32
      %add3A_73 = arith.constant 1 : i32
      %add3A_74 = arith.addi %mul3A_72, %add3A_73 : i32
      %dma_start3A_75 = arith.constant 1 : i32
      %dma_start3A_76 = arith.constant 0 : i32
      %dma_start3A_77 = arith.constant 0 : i32
      %dma_start3A_78 = tpu.memref_slice %arg9[%dma_start3A_75, %dma_start3A_76, %dma_start3A_77] : memref<2x125x128xf32, #tpu.memory_space<vmem>> -> memref<1x125x128xf32, #tpu.memory_space<vmem>>
      %dma_start3A_79 = tpu.memref_squeeze %dma_start3A_78 : memref<1x125x128xf32, #tpu.memory_space<vmem>> -> memref<125x128xf32, #tpu.memory_space<vmem>>
      %dma_start3A_80 = arith.constant 0 : i32
      %dma_start3A_81 = tpu.memref_slice %arg7[%add3A_74, %dma_start3A_80] : memref<40x125xi32, #tpu.memory_space<vmem>> -> memref<1x125xi32, #tpu.memory_space<vmem>>
      %dma_start3A_82 = tpu.memref_squeeze %dma_start3A_81 : memref<1x125xi32, #tpu.memory_space<vmem>> -> memref<125xi32, #tpu.memory_space<vmem>>
      %dma_start3A_83 = arith.constant 0 : i32
      %dma_start3A_84 = arith.constant 0 : i32
      %dma_start3A_85 = tpu.memref_slice %arg2[%dma_start3A_83, %dma_start3A_84] : memref<10240x128xf32, #tpu.memory_space<hbm>> -> memref<10240x128xf32, #tpu.memory_space<hbm>>
      tpu.enqueue_indirect_dma source(%dma_start3A_85 : memref<10240x128xf32, #tpu.memory_space<hbm>>) target(%dma_start3A_79 : memref<125x128xf32, #tpu.memory_space<vmem>>) offsets(%dma_start3A_82 : memref<125xi32, #tpu.memory_space<vmem>>) semaphore(%arg12 : memref<!tpu.dma_semaphore, #tpu.memory_space<semaphore_mem>>)
      %dma_wait3A = arith.constant 0 : i32
      %dma_wait3A_86 = arith.constant 0 : i32
      %dma_wait3A_87 = arith.constant 0 : i32
      %dma_wait3A_88 = tpu.memref_slice %arg9[%dma_wait3A, %dma_wait3A_86, %dma_wait3A_87] : memref<2x125x128xf32, #tpu.memory_space<vmem>> -> memref<1x125x128xf32, #tpu.memory_space<vmem>>
      %dma_wait3A_89 = tpu.memref_squeeze %dma_wait3A_88 : memref<1x125x128xf32, #tpu.memory_space<vmem>> -> memref<125x128xf32, #tpu.memory_space<vmem>>
      %dma_wait3A_90 = arith.constant 0 : i32
      %dma_wait3A_91 = tpu.memref_slice %arg7[%mul3A_70, %dma_wait3A_90] : memref<40x125xi32, #tpu.memory_space<vmem>> -> memref<1x125xi32, #tpu.memory_space<vmem>>
      %dma_wait3A_92 = tpu.memref_squeeze %dma_wait3A_91 : memref<1x125xi32, #tpu.memory_space<vmem>> -> memref<125xi32, #tpu.memory_space<vmem>>
      %dma_wait3A_93 = arith.constant 0 : i32
      %dma_wait3A_94 = arith.constant 0 : i32
      %dma_wait3A_95 = tpu.memref_slice %arg2[%dma_wait3A_93, %dma_wait3A_94] : memref<10240x128xf32, #tpu.memory_space<hbm>> -> memref<10240x128xf32, #tpu.memory_space<hbm>>
      tpu.wait_indirect_dma semaphore(%arg11 : memref<!tpu.dma_semaphore, #tpu.memory_space<semaphore_mem>>) src(%dma_wait3A_95 : memref<10240x128xf32, #tpu.memory_space<hbm>>) dst(%dma_wait3A_89 : memref<125x128xf32, #tpu.memory_space<vmem>>)
      %run_scoped3A = arith.constant 0 : i32
      "tpu.region"() ({
        %run_scoped3A_112 = tpu.sem_alloc : memref<!tpu.dma_semaphore, #tpu.memory_space<semaphore_mem>>
        %dma_start3A_113 = arith.constant 0 : i32
        %dma_start3A_114 = arith.constant 0 : i32
        %dma_start3A_115 = tpu.memref_slice %arg9[%run_scoped3A, %dma_start3A_113, %dma_start3A_114] : memref<2x125x128xf32, #tpu.memory_space<vmem>> -> memref<1x125x128xf32, #tpu.memory_space<vmem>>
        %dma_start3A_116 = tpu.memref_squeeze %dma_start3A_115 : memref<1x125x128xf32, #tpu.memory_space<vmem>> -> memref<125x128xf32, #tpu.memory_space<vmem>>
        %dma_start3A_117 = arith.constant 0 : i32
        %dma_start3A_118 = tpu.memref_slice %arg8[%mul3A_70, %dma_start3A_117] : memref<40x125xi32, #tpu.memory_space<vmem>> -> memref<1x125xi32, #tpu.memory_space<vmem>>
        %dma_start3A_119 = tpu.memref_squeeze %dma_start3A_118 : memref<1x125xi32, #tpu.memory_space<vmem>> -> memref<125xi32, #tpu.memory_space<vmem>>
        %dma_start3A_120 = arith.constant 0 : i32
        %dma_start3A_121 = arith.constant 0 : i32
        %dma_start3A_122 = tpu.memref_slice %arg10[%dma_start3A_120, %dma_start3A_121] : memref<10240x128xf32, #tpu.memory_space<vmem_shared>> -> memref<10240x128xf32, #tpu.memory_space<vmem_shared>>
        tpu.enqueue_indirect_dma source(%dma_start3A_116 : memref<125x128xf32, #tpu.memory_space<vmem>>) target(%dma_start3A_122 : memref<10240x128xf32, #tpu.memory_space<vmem_shared>>) offsets(%dma_start3A_119 : memref<125xi32, #tpu.memory_space<vmem>>) semaphore(%run_scoped3A_112 : memref<!tpu.dma_semaphore, #tpu.memory_space<semaphore_mem>>) {add = true}
        %dma_wait3A_123 = arith.constant 0 : i32
        %dma_wait3A_124 = arith.constant 0 : i32
        %dma_wait3A_125 = tpu.memref_slice %arg9[%run_scoped3A, %dma_wait3A_123, %dma_wait3A_124] : memref<2x125x128xf32, #tpu.memory_space<vmem>> -> memref<1x125x128xf32, #tpu.memory_space<vmem>>
        %dma_wait3A_126 = tpu.memref_squeeze %dma_wait3A_125 : memref<1x125x128xf32, #tpu.memory_space<vmem>> -> memref<125x128xf32, #tpu.memory_space<vmem>>
        %dma_wait3A_127 = arith.constant 0 : i32
        %dma_wait3A_128 = tpu.memref_slice %arg8[%mul3A_70, %dma_wait3A_127] : memref<40x125xi32, #tpu.memory_space<vmem>> -> memref<1x125xi32, #tpu.memory_space<vmem>>
        %dma_wait3A_129 = tpu.memref_squeeze %dma_wait3A_128 : memref<1x125xi32, #tpu.memory_space<vmem>> -> memref<125xi32, #tpu.memory_space<vmem>>
        %dma_wait3A_130 = arith.constant 0 : i32
        %dma_wait3A_131 = arith.constant 0 : i32
        %dma_wait3A_132 = tpu.memref_slice %arg10[%dma_wait3A_130, %dma_wait3A_131] : memref<10240x128xf32, #tpu.memory_space<vmem_shared>> -> memref<10240x128xf32, #tpu.memory_space<vmem_shared>>
        tpu.wait_indirect_dma semaphore(%run_scoped3A_112 : memref<!tpu.dma_semaphore, #tpu.memory_space<semaphore_mem>>) src(%dma_wait3A_126 : memref<125x128xf32, #tpu.memory_space<vmem>>) dst(%dma_wait3A_132 : memref<10240x128xf32, #tpu.memory_space<vmem_shared>>)
        tpu.yield
      }) : () -> ()
      %add3A_96 = arith.constant 1 : i32
      %add3A_97 = arith.addi %add3A_74, %add3A_96 : i32
      %lt3A = arith.constant 40 : i32
      %lt3A_98 = arith.cmpi slt, %add3A_97, %lt3A : i32
      %convert_element_type3A = arith.extui %lt3A_98 : i1 to i32
      %cond3A = arith.constant 0 : i32
      %cond3A_99 = arith.cmpi ne, %convert_element_type3A, %cond3A : i32
      scf.if %cond3A_99 {
        %add3A_112 = arith.constant 1 : i32
        %add3A_113 = arith.addi %add3A_74, %add3A_112 : i32
        %dma_start3A_114 = arith.constant 0 : i32
        %dma_start3A_115 = arith.constant 0 : i32
        %dma_start3A_116 = arith.constant 0 : i32
        %dma_start3A_117 = tpu.memref_slice %arg9[%dma_start3A_114, %dma_start3A_115, %dma_start3A_116] : memref<2x125x128xf32, #tpu.memory_space<vmem>> -> memref<1x125x128xf32, #tpu.memory_space<vmem>>
        %dma_start3A_118 = tpu.memref_squeeze %dma_start3A_117 : memref<1x125x128xf32, #tpu.memory_space<vmem>> -> memref<125x128xf32, #tpu.memory_space<vmem>>
        %dma_start3A_119 = arith.constant 0 : i32
        %dma_start3A_120 = tpu.memref_slice %arg7[%add3A_113, %dma_start3A_119] : memref<40x125xi32, #tpu.memory_space<vmem>> -> memref<1x125xi32, #tpu.memory_space<vmem>>
        %dma_start3A_121 = tpu.memref_squeeze %dma_start3A_120 : memref<1x125xi32, #tpu.memory_space<vmem>> -> memref<125xi32, #tpu.memory_space<vmem>>
        %dma_start3A_122 = arith.constant 0 : i32
        %dma_start3A_123 = arith.constant 0 : i32
        %dma_start3A_124 = tpu.memref_slice %arg2[%dma_start3A_122, %dma_start3A_123] : memref<10240x128xf32, #tpu.memory_space<hbm>> -> memref<10240x128xf32, #tpu.memory_space<hbm>>
        tpu.enqueue_indirect_dma source(%dma_start3A_124 : memref<10240x128xf32, #tpu.memory_space<hbm>>) target(%dma_start3A_118 : memref<125x128xf32, #tpu.memory_space<vmem>>) offsets(%dma_start3A_121 : memref<125xi32, #tpu.memory_space<vmem>>) semaphore(%arg11 : memref<!tpu.dma_semaphore, #tpu.memory_space<semaphore_mem>>)
      } else {
      }
      %dma_wait3A_100 = arith.constant 1 : i32
      %dma_wait3A_101 = arith.constant 0 : i32
      %dma_wait3A_102 = arith.constant 0 : i32
      %dma_wait3A_103 = tpu.memref_slice %arg9[%dma_wait3A_100, %dma_wait3A_101, %dma_wait3A_102] : memref<2x125x128xf32, #tpu.memory_space<vmem>> -> memref<1x125x128xf32, #tpu.memory_space<vmem>>
      %dma_wait3A_104 = tpu.memref_squeeze %dma_wait3A_103 : memref<1x125x128xf32, #tpu.memory_space<vmem>> -> memref<125x128xf32, #tpu.memory_space<vmem>>
      %dma_wait3A_105 = arith.constant 0 : i32
      %dma_wait3A_106 = tpu.memref_slice %arg7[%add3A_74, %dma_wait3A_105] : memref<40x125xi32, #tpu.memory_space<vmem>> -> memref<1x125xi32, #tpu.memory_space<vmem>>
      %dma_wait3A_107 = tpu.memref_squeeze %dma_wait3A_106 : memref<1x125xi32, #tpu.memory_space<vmem>> -> memref<125xi32, #tpu.memory_space<vmem>>
      %dma_wait3A_108 = arith.constant 0 : i32
      %dma_wait3A_109 = arith.constant 0 : i32
      %dma_wait3A_110 = tpu.memref_slice %arg2[%dma_wait3A_108, %dma_wait3A_109] : memref<10240x128xf32, #tpu.memory_space<hbm>> -> memref<10240x128xf32, #tpu.memory_space<hbm>>
      tpu.wait_indirect_dma semaphore(%arg12 : memref<!tpu.dma_semaphore, #tpu.memory_space<semaphore_mem>>) src(%dma_wait3A_110 : memref<10240x128xf32, #tpu.memory_space<hbm>>) dst(%dma_wait3A_104 : memref<125x128xf32, #tpu.memory_space<vmem>>)
      %run_scoped3A_111 = arith.constant 1 : i32
      "tpu.region"() ({
        %run_scoped3A_112 = tpu.sem_alloc : memref<!tpu.dma_semaphore, #tpu.memory_space<semaphore_mem>>
        %dma_start3A_113 = arith.constant 0 : i32
        %dma_start3A_114 = arith.constant 0 : i32
        %dma_start3A_115 = tpu.memref_slice %arg9[%run_scoped3A_111, %dma_start3A_113, %dma_start3A_114] : memref<2x125x128xf32, #tpu.memory_space<vmem>> -> memref<1x125x128xf32, #tpu.memory_space<vmem>>
        %dma_start3A_116 = tpu.memref_squeeze %dma_start3A_115 : memref<1x125x128xf32, #tpu.memory_space<vmem>> -> memref<125x128xf32, #tpu.memory_space<vmem>>
        %dma_start3A_117 = arith.constant 0 : i32
        %dma_start3A_118 = tpu.memref_slice %arg8[%add3A_74, %dma_start3A_117] : memref<40x125xi32, #tpu.memory_space<vmem>> -> memref<1x125xi32, #tpu.memory_space<vmem>>
        %dma_start3A_119 = tpu.memref_squeeze %dma_start3A_118 : memref<1x125xi32, #tpu.memory_space<vmem>> -> memref<125xi32, #tpu.memory_space<vmem>>
        %dma_start3A_120 = arith.constant 0 : i32
        %dma_start3A_121 = arith.constant 0 : i32
        %dma_start3A_122 = tpu.memref_slice %arg10[%dma_start3A_120, %dma_start3A_121] : memref<10240x128xf32, #tpu.memory_space<vmem_shared>> -> memref<10240x128xf32, #tpu.memory_space<vmem_shared>>
        tpu.enqueue_indirect_dma source(%dma_start3A_116 : memref<125x128xf32, #tpu.memory_space<vmem>>) target(%dma_start3A_122 : memref<10240x128xf32, #tpu.memory_space<vmem_shared>>) offsets(%dma_start3A_119 : memref<125xi32, #tpu.memory_space<vmem>>) semaphore(%run_scoped3A_112 : memref<!tpu.dma_semaphore, #tpu.memory_space<semaphore_mem>>) {add = true}
        %dma_wait3A_123 = arith.constant 0 : i32
        %dma_wait3A_124 = arith.constant 0 : i32
        %dma_wait3A_125 = tpu.memref_slice %arg9[%run_scoped3A_111, %dma_wait3A_123, %dma_wait3A_124] : memref<2x125x128xf32, #tpu.memory_space<vmem>> -> memref<1x125x128xf32, #tpu.memory_space<vmem>>
        %dma_wait3A_126 = tpu.memref_squeeze %dma_wait3A_125 : memref<1x125x128xf32, #tpu.memory_space<vmem>> -> memref<125x128xf32, #tpu.memory_space<vmem>>
        %dma_wait3A_127 = arith.constant 0 : i32
        %dma_wait3A_128 = tpu.memref_slice %arg8[%add3A_74, %dma_wait3A_127] : memref<40x125xi32, #tpu.memory_space<vmem>> -> memref<1x125xi32, #tpu.memory_space<vmem>>
        %dma_wait3A_129 = tpu.memref_squeeze %dma_wait3A_128 : memref<1x125xi32, #tpu.memory_space<vmem>> -> memref<125xi32, #tpu.memory_space<vmem>>
        %dma_wait3A_130 = arith.constant 0 : i32
        %dma_wait3A_131 = arith.constant 0 : i32
        %dma_wait3A_132 = tpu.memref_slice %arg10[%dma_wait3A_130, %dma_wait3A_131] : memref<10240x128xf32, #tpu.memory_space<vmem_shared>> -> memref<10240x128xf32, #tpu.memory_space<vmem_shared>>
        tpu.wait_indirect_dma semaphore(%run_scoped3A_112 : memref<!tpu.dma_semaphore, #tpu.memory_space<semaphore_mem>>) src(%dma_wait3A_126 : memref<125x128xf32, #tpu.memory_space<vmem>>) dst(%dma_wait3A_132 : memref<10240x128xf32, #tpu.memory_space<vmem_shared>>)
        tpu.yield
      }) : () -> ()
    }
    %scan3A_62 = arith.constant 20 : i32
    %barrier3A_63 = arith.constant 0 : index
    tpu.barrier barrier_id(%barrier3A_63)
    %mul3A_64 = arith.constant 640 : i32
    %mul3A_65 = arith.muli %arg1, %mul3A_64 : i32
    %mul3A_66 = arith.constant 640 : i32
    %mul3A_67 = arith.muli %arg1, %mul3A_66 : i32
    "tpu.region"() ({
      %run_scoped3A = tpu.sem_alloc : memref<!tpu.dma_semaphore, #tpu.memory_space<semaphore_mem>>
      %dma_start3A_68 = arith.constant 0 : i32
      %dma_start3A_69 = tpu.memref_slice %arg6[%arg0, %mul3A_67, %dma_start3A_68] : memref<2x10240x128xf32, #tpu.memory_space<hbm>> -> memref<1x640x128xf32, #tpu.memory_space<hbm>>
      %dma_start3A_70 = tpu.memref_squeeze %dma_start3A_69 : memref<1x640x128xf32, #tpu.memory_space<hbm>> -> memref<640x128xf32, #tpu.memory_space<hbm>>
      %dma_start3A_71 = arith.constant 0 : i32
      %dma_start3A_72 = tpu.memref_slice %arg10[%mul3A_65, %dma_start3A_71] : memref<10240x128xf32, #tpu.memory_space<vmem_shared>> -> memref<640x128xf32, #tpu.memory_space<vmem_shared>>
      tpu.enqueue_dma source(%dma_start3A_72 : memref<640x128xf32, #tpu.memory_space<vmem_shared>>) target(%dma_start3A_70 : memref<640x128xf32, #tpu.memory_space<hbm>>) target_semaphore(%run_scoped3A : memref<!tpu.dma_semaphore, #tpu.memory_space<semaphore_mem>>)
      %dma_wait3A = arith.constant 0 : i32
      %dma_wait3A_73 = tpu.memref_slice %arg6[%arg0, %mul3A_67, %dma_wait3A] : memref<2x10240x128xf32, #tpu.memory_space<hbm>> -> memref<1x640x128xf32, #tpu.memory_space<hbm>>
      %dma_wait3A_74 = tpu.memref_squeeze %dma_wait3A_73 : memref<1x640x128xf32, #tpu.memory_space<hbm>> -> memref<640x128xf32, #tpu.memory_space<hbm>>
      %dma_wait3A_75 = arith.constant 0 : i32
      %dma_wait3A_76 = tpu.memref_slice %arg10[%mul3A_65, %dma_wait3A_75] : memref<10240x128xf32, #tpu.memory_space<vmem_shared>> -> memref<640x128xf32, #tpu.memory_space<vmem_shared>>
      tpu.wait_dma2 semaphore(%run_scoped3A : memref<!tpu.dma_semaphore, #tpu.memory_space<semaphore_mem>>) src(%dma_wait3A_76 : memref<640x128xf32, #tpu.memory_space<vmem_shared>>) dst(%dma_wait3A_74 : memref<640x128xf32, #tpu.memory_space<hbm>>)
      tpu.yield
    }) : () -> ()
    return
  }
}

module attributes {stable_mosaic.version = 14 : i64} {
  func.func @_prep_body(%arg0: i32, %arg1: memref<256x1xf32, #tpu.memory_space<vmem>>, %arg2: memref<256x128xf32, #tpu.memory_space<vmem>>, %arg3: memref<1x128xf32, #tpu.memory_space<vmem>>, %arg4: memref<1x128xf32, #tpu.memory_space<vmem>>, %arg5: memref<128x128xf32, #tpu.memory_space<vmem>>, %arg6: memref<1x128xf32, #tpu.memory_space<vmem>>, %arg7: memref<128x128xf32, #tpu.memory_space<vmem>>, %arg8: memref<1x128xf32, #tpu.memory_space<vmem>>, %arg9: memref<128x256xf32, #tpu.memory_space<vmem>>, %arg10: memref<1x256xf32, #tpu.memory_space<vmem>>, %arg11: memref<256x128xf32, #tpu.memory_space<vmem>>, %arg12: memref<1x1xf32, #tpu.memory_space<vmem>>, %arg13: memref<256x256xf32, #tpu.memory_space<vmem>>) attributes {dimension_semantics = [#tpu.dimension_semantics<arbitrary>], iteration_bounds = array<i64: 40>, scalar_prefetch = 0 : i64, scratch_operands = 0 : i64, tpu.core_type = #tpu.core_type<tc>, window_params = [{transform_indices = @transform_0, window_bounds = array<i64: 256, 1>}, {transform_indices = @transform_1, window_bounds = array<i64: 256, 128>}, {pipeline_mode = #tpu.pipeline_mode<synchronous>, transform_indices = @transform_2, window_bounds = array<i64: 1, 128>}, {pipeline_mode = #tpu.pipeline_mode<synchronous>, transform_indices = @transform_3, window_bounds = array<i64: 1, 128>}, {pipeline_mode = #tpu.pipeline_mode<synchronous>, transform_indices = @transform_4, window_bounds = array<i64: 128, 128>}, {pipeline_mode = #tpu.pipeline_mode<synchronous>, transform_indices = @transform_5, window_bounds = array<i64: 1, 128>}, {pipeline_mode = #tpu.pipeline_mode<synchronous>, transform_indices = @transform_6, window_bounds = array<i64: 128, 128>}, {pipeline_mode = #tpu.pipeline_mode<synchronous>, transform_indices = @transform_7, window_bounds = array<i64: 1, 128>}, {pipeline_mode = #tpu.pipeline_mode<synchronous>, transform_indices = @transform_8, window_bounds = array<i64: 128, 256>}, {pipeline_mode = #tpu.pipeline_mode<synchronous>, transform_indices = @transform_9, window_bounds = array<i64: 1, 256>}, {transform_indices = @transform_10, window_bounds = array<i64: 256, 128>}, {pipeline_mode = #tpu.pipeline_mode<synchronous>, transform_indices = @transform_11, window_bounds = array<i64: 1, 1>}, {transform_indices = @transform_12, window_bounds = array<i64: 256, 256>}]} {
    %get3A = arith.constant 0 : index
    %get3A_0 = arith.constant 0 : index
    %get3A_1 = vector.load %arg1[%get3A, %get3A_0] : memref<256x1xf32, #tpu.memory_space<vmem>>, vector<256x1xf32>
    %get3A_2 = arith.constant 0 : index
    %get3A_3 = arith.constant 0 : index
    %get3A_4 = vector.load %arg3[%get3A_2, %get3A_3] : memref<1x128xf32, #tpu.memory_space<vmem>>, vector<1x128xf32>
    %mul3A = vector.broadcast %get3A_1 : vector<256x1xf32> to vector<256x128xf32>
    %mul3A_5 = vector.broadcast %get3A_4 : vector<1x128xf32> to vector<256x128xf32>
    %mul3A_6 = arith.mulf %mul3A, %mul3A_5 : vector<256x128xf32>
    %get3A_7 = arith.constant 0 : index
    %get3A_8 = arith.constant 0 : index
    %get3A_9 = vector.load %arg4[%get3A_7, %get3A_8] : memref<1x128xf32, #tpu.memory_space<vmem>>, vector<1x128xf32>
    %add3A = vector.broadcast %get3A_9 : vector<1x128xf32> to vector<256x128xf32>
    %add3A_10 = arith.addf %mul3A_6, %add3A : vector<256x128xf32>
    %gt3A = arith.constant 0.000000e+00 : f32
    %gt3A_11 = vector.broadcast %gt3A : f32 to vector<256x128xf32>
    %gt3A_12 = arith.cmpf ogt, %add3A_10, %gt3A_11 : vector<256x128xf32>
    %mul3A_13 = arith.constant 1.000000e-01 : f32
    %mul3A_14 = vector.broadcast %mul3A_13 : f32 to vector<256x128xf32>
    %mul3A_15 = arith.mulf %mul3A_14, %add3A_10 : vector<256x128xf32>
    %select_n3A = arith.select %gt3A_12, %add3A_10, %mul3A_15 : vector<256x128xi1>, vector<256x128xf32>
    %get3A_16 = arith.constant 0 : index
    %get3A_17 = arith.constant 0 : index
    %get3A_18 = vector.load %arg5[%get3A_16, %get3A_17] : memref<128x128xf32, #tpu.memory_space<vmem>>, vector<128x128xf32>
    %dot_general3A = arith.constant dense<0.000000e+00> : vector<256x128xf32>
    %dot_general3A_19 = tpu.matmul %select_n3A, %get3A_18, %dot_general3A {dimension_numbers = #tpu.dot_dimension_numbers<[1], [0], [0], [1], [0, 0, 1, 1], [], []>, precision = #tpu.contract_precision<fp32>, transpose_lhs_hint = false} : vector<256x128xf32>, vector<128x128xf32>, vector<256x128xf32> -> vector<256x128xf32>
    %get3A_20 = arith.constant 0 : index
    %get3A_21 = arith.constant 0 : index
    %get3A_22 = vector.load %arg6[%get3A_20, %get3A_21] : memref<1x128xf32, #tpu.memory_space<vmem>>, vector<1x128xf32>
    %add3A_23 = vector.broadcast %get3A_22 : vector<1x128xf32> to vector<256x128xf32>
    %add3A_24 = arith.addf %dot_general3A_19, %add3A_23 : vector<256x128xf32>
    %swap3A = arith.constant 0 : index
    %swap3A_25 = arith.constant 0 : index
    %swap3A_26 = vector.load %arg11[%swap3A, %swap3A_25] : memref<256x128xf32, #tpu.memory_space<vmem>>, vector<256x128xf32>
    tpu.vector_store %arg11[%swap3A, %swap3A_25], %add3A_24 {strides = array<i32>} : memref<256x128xf32, #tpu.memory_space<vmem>>, vector<256x128xf32>,
    %reduce_max3A = vector.shape_cast %get3A_1 : vector<256x1xf32> to vector<1x256x1xf32>
    %reduce_max3A_27 = arith.constant dense<0xFF800000> : vector<1xf32>
    %reduce_max3A_28 = vector.multi_reduction <maximumf>, %reduce_max3A, %reduce_max3A_27 [1, 2] : vector<1x256x1xf32> to vector<1xf32>
    %reduce_max3A_29 = vector.shape_cast %reduce_max3A_28 : vector<1xf32> to vector<1x1x1xf32>
    %reduce_max3A_30 = vector.extract %reduce_max3A_29[0, 0, 0] : f32 from vector<1x1x1xf32>
    %broadcast_in_dim3A = vector.broadcast %reduce_max3A_30 : f32 to vector<1x1xf32>
    %eq3A = arith.constant 0 : i32
    %eq3A_31 = arith.cmpi eq, %arg0, %eq3A : i32
    %broadcast_in_dim3A_32 = arith.constant 0xFF800000 : f32
    %broadcast_in_dim3A_33 = vector.broadcast %broadcast_in_dim3A_32 : f32 to vector<1x1xf32>
    %get3A_34 = arith.constant 0 : index
    %get3A_35 = arith.constant 0 : index
    %get3A_36 = vector.load %arg12[%get3A_34, %get3A_35] : memref<1x1xf32, #tpu.memory_space<vmem>>, vector<1x1xf32>
    %select_n3A_37 = arith.select %eq3A_31, %broadcast_in_dim3A_33, %get3A_36 : vector<1x1xf32>
    %max3A = arith.maximumf %select_n3A_37, %broadcast_in_dim3A : vector<1x1xf32>
    %swap3A_38 = arith.constant 0 : index
    %swap3A_39 = arith.constant 0 : index
    %swap3A_40 = vector.load %arg12[%swap3A_38, %swap3A_39] : memref<1x1xf32, #tpu.memory_space<vmem>>, vector<1x1xf32>
    tpu.vector_store %arg12[%swap3A_38, %swap3A_39], %max3A {strides = array<i32>} : memref<1x1xf32, #tpu.memory_space<vmem>>, vector<1x1xf32>,
    %get3A_41 = arith.constant 0 : index
    %get3A_42 = arith.constant 0 : index
    %get3A_43 = vector.load %arg2[%get3A_41, %get3A_42] : memref<256x128xf32, #tpu.memory_space<vmem>>, vector<256x128xf32>
    %get3A_44 = arith.constant 0 : index
    %get3A_45 = arith.constant 0 : index
    %get3A_46 = vector.load %arg7[%get3A_44, %get3A_45] : memref<128x128xf32, #tpu.memory_space<vmem>>, vector<128x128xf32>
    %dot_general3A_47 = arith.constant dense<0.000000e+00> : vector<256x128xf32>
    %dot_general3A_48 = tpu.matmul %get3A_43, %get3A_46, %dot_general3A_47 {dimension_numbers = #tpu.dot_dimension_numbers<[1], [0], [0], [1], [0, 0, 1, 1], [], []>, precision = #tpu.contract_precision<fp32>, transpose_lhs_hint = false} : vector<256x128xf32>, vector<128x128xf32>, vector<256x128xf32> -> vector<256x128xf32>
    %get3A_49 = arith.constant 0 : index
    %get3A_50 = arith.constant 0 : index
    %get3A_51 = vector.load %arg8[%get3A_49, %get3A_50] : memref<1x128xf32, #tpu.memory_space<vmem>>, vector<1x128xf32>
    %add3A_52 = vector.broadcast %get3A_51 : vector<1x128xf32> to vector<256x128xf32>
    %add3A_53 = arith.addf %dot_general3A_48, %add3A_52 : vector<256x128xf32>
    %gt3A_54 = arith.constant 0.000000e+00 : f32
    %gt3A_55 = vector.broadcast %gt3A_54 : f32 to vector<256x128xf32>
    %gt3A_56 = arith.cmpf ogt, %add3A_53, %gt3A_55 : vector<256x128xf32>
    %mul3A_57 = arith.constant 1.000000e-01 : f32
    %mul3A_58 = vector.broadcast %mul3A_57 : f32 to vector<256x128xf32>
    %mul3A_59 = arith.mulf %mul3A_58, %add3A_53 : vector<256x128xf32>
    %select_n3A_60 = arith.select %gt3A_56, %add3A_53, %mul3A_59 : vector<256x128xi1>, vector<256x128xf32>
    %get3A_61 = arith.constant 0 : index
    %get3A_62 = arith.constant 0 : index
    %get3A_63 = vector.load %arg9[%get3A_61, %get3A_62] : memref<128x256xf32, #tpu.memory_space<vmem>>, vector<128x256xf32>
    %dot_general3A_64 = arith.constant dense<0.000000e+00> : vector<256x256xf32>
    %dot_general3A_65 = tpu.matmul %select_n3A_60, %get3A_63, %dot_general3A_64 {dimension_numbers = #tpu.dot_dimension_numbers<[1], [0], [0], [1], [0, 0, 1, 1], [], []>, precision = #tpu.contract_precision<fp32>, transpose_lhs_hint = false} : vector<256x128xf32>, vector<128x256xf32>, vector<256x256xf32> -> vector<256x256xf32>
    %get3A_66 = arith.constant 0 : index
    %get3A_67 = arith.constant 0 : index
    %get3A_68 = vector.load %arg10[%get3A_66, %get3A_67] : memref<1x256xf32, #tpu.memory_space<vmem>>, vector<1x256xf32>
    %add3A_69 = vector.broadcast %get3A_68 : vector<1x256xf32> to vector<256x256xf32>
    %add3A_70 = arith.addf %dot_general3A_65, %add3A_69 : vector<256x256xf32>
    %swap3A_71 = arith.constant 0 : index
    %swap3A_72 = arith.constant 0 : index
    %swap3A_73 = vector.load %arg13[%swap3A_71, %swap3A_72] : memref<256x256xf32, #tpu.memory_space<vmem>>, vector<256x256xf32>
    tpu.vector_store %arg13[%swap3A_71, %swap3A_72], %add3A_70 {strides = array<i32>} : memref<256x256xf32, #tpu.memory_space<vmem>>, vector<256x256xf32>,
    return
  }
  func.func @transform_0(%arg0: i32) -> (i32, i32) {
    %c0_i32 = arith.constant 0 : i32
    %c0_i32_0 = arith.constant 0 : i32
    return %arg0, %c0_i32 : i32, i32
  }
  func.func @transform_1(%arg0: i32) -> (i32, i32) {
    %c0_i32 = arith.constant 0 : i32
    %c0_i32_0 = arith.constant 0 : i32
    return %arg0, %c0_i32 : i32, i32
  }
  func.func @transform_2(%arg0: i32) -> (i32, i32) {
    %c0_i32 = arith.constant 0 : i32
    %c0_i32_0 = arith.constant 0 : i32
    %c0_i32_1 = arith.constant 0 : i32
    return %c0_i32, %c0_i32_0 : i32, i32
  }
  func.func @transform_3(%arg0: i32) -> (i32, i32) {
    %c0_i32 = arith.constant 0 : i32
    %c0_i32_0 = arith.constant 0 : i32
    %c0_i32_1 = arith.constant 0 : i32
    return %c0_i32, %c0_i32_0 : i32, i32
  }
  func.func @transform_4(%arg0: i32) -> (i32, i32) {
    %c0_i32 = arith.constant 0 : i32
    %c0_i32_0 = arith.constant 0 : i32
    %c0_i32_1 = arith.constant 0 : i32
    return %c0_i32, %c0_i32_0 : i32, i32
  }
  func.func @transform_5(%arg0: i32) -> (i32, i32) {
    %c0_i32 = arith.constant 0 : i32
    %c0_i32_0 = arith.constant 0 : i32
    %c0_i32_1 = arith.constant 0 : i32
    return %c0_i32, %c0_i32_0 : i32, i32
  }
  func.func @transform_6(%arg0: i32) -> (i32, i32) {
    %c0_i32 = arith.constant 0 : i32
    %c0_i32_0 = arith.constant 0 : i32
    %c0_i32_1 = arith.constant 0 : i32
    return %c0_i32, %c0_i32_0 : i32, i32
  }
  func.func @transform_7(%arg0: i32) -> (i32, i32) {
    %c0_i32 = arith.constant 0 : i32
    %c0_i32_0 = arith.constant 0 : i32
    %c0_i32_1 = arith.constant 0 : i32
    return %c0_i32, %c0_i32_0 : i32, i32
  }
  func.func @transform_8(%arg0: i32) -> (i32, i32) {
    %c0_i32 = arith.constant 0 : i32
    %c0_i32_0 = arith.constant 0 : i32
    %c0_i32_1 = arith.constant 0 : i32
    return %c0_i32, %c0_i32_0 : i32, i32
  }
  func.func @transform_9(%arg0: i32) -> (i32, i32) {
    %c0_i32 = arith.constant 0 : i32
    %c0_i32_0 = arith.constant 0 : i32
    %c0_i32_1 = arith.constant 0 : i32
    return %c0_i32, %c0_i32_0 : i32, i32
  }
  func.func @transform_10(%arg0: i32) -> (i32, i32) {
    %c0_i32 = arith.constant 0 : i32
    %c0_i32_0 = arith.constant 0 : i32
    return %arg0, %c0_i32 : i32, i32
  }
  func.func @transform_11(%arg0: i32) -> (i32, i32) {
    %c0_i32 = arith.constant 0 : i32
    %c0_i32_0 = arith.constant 0 : i32
    %c0_i32_1 = arith.constant 0 : i32
    return %c0_i32, %c0_i32_0 : i32, i32
  }
  func.func @transform_12(%arg0: i32) -> (i32, i32) {
    %c0_i32 = arith.constant 0 : i32
    %c0_i32_0 = arith.constant 0 : i32
    return %arg0, %c0_i32 : i32, i32
  }
}

module attributes {stable_mosaic.version = 14 : i64} {
  func.func @_dense_body(%arg0: i32, %arg1: memref<2x256x128xf32, #tpu.memory_space<vmem>>, %arg2: memref<256x256xf32, #tpu.memory_space<vmem>>, %arg3: memref<256x1xi32, #tpu.memory_space<vmem>>, %arg4: memref<1x1xf32, #tpu.memory_space<vmem>>, %arg5: memref<1x128xf32, #tpu.memory_space<vmem>>, %arg6: memref<128x256xf32, #tpu.memory_space<vmem>>, %arg7: memref<1x256xf32, #tpu.memory_space<vmem>>, %arg8: memref<1x128xf32, #tpu.memory_space<vmem>>, %arg9: memref<1x128xf32, #tpu.memory_space<vmem>>, %arg10: memref<128x256xf32, #tpu.memory_space<vmem>>, %arg11: memref<1x256xf32, #tpu.memory_space<vmem>>, %arg12: memref<256x256xf32, #tpu.memory_space<vmem>>, %arg13: memref<256x256xf32, #tpu.memory_space<vmem>>, %arg14: memref<1x256xf32, #tpu.memory_space<vmem>>, %arg15: memref<256x1xf32, #tpu.memory_space<vmem>>, %arg16: memref<1x1xf32, #tpu.memory_space<vmem>>, %arg17: memref<256x1xf32, #tpu.memory_space<vmem>>) attributes {dimension_semantics = [#tpu.dimension_semantics<arbitrary>], iteration_bounds = array<i64: 40>, scalar_prefetch = 0 : i64, scratch_operands = 0 : i64, tpu.core_type = #tpu.core_type<tc>, window_params = [{transform_indices = @transform_0, window_bounds = array<i64: 2, 256, 128>}, {transform_indices = @transform_1, window_bounds = array<i64: 256, 256>}, {transform_indices = @transform_2, window_bounds = array<i64: 256, 1>}, {pipeline_mode = #tpu.pipeline_mode<synchronous>, transform_indices = @transform_3, window_bounds = array<i64: 1, 1>}, {pipeline_mode = #tpu.pipeline_mode<synchronous>, transform_indices = @transform_4, window_bounds = array<i64: 1, 128>}, {pipeline_mode = #tpu.pipeline_mode<synchronous>, transform_indices = @transform_5, window_bounds = array<i64: 128, 256>}, {pipeline_mode = #tpu.pipeline_mode<synchronous>, transform_indices = @transform_6, window_bounds = array<i64: 1, 256>}, {pipeline_mode = #tpu.pipeline_mode<synchronous>, transform_indices = @transform_7, window_bounds = array<i64: 1, 128>}, {pipeline_mode = #tpu.pipeline_mode<synchronous>, transform_indices = @transform_8, window_bounds = array<i64: 1, 128>}, {pipeline_mode = #tpu.pipeline_mode<synchronous>, transform_indices = @transform_9, window_bounds = array<i64: 128, 256>}, {pipeline_mode = #tpu.pipeline_mode<synchronous>, transform_indices = @transform_10, window_bounds = array<i64: 1, 256>}, {pipeline_mode = #tpu.pipeline_mode<synchronous>, transform_indices = @transform_11, window_bounds = array<i64: 256, 256>}, {pipeline_mode = #tpu.pipeline_mode<synchronous>, transform_indices = @transform_12, window_bounds = array<i64: 256, 256>}, {pipeline_mode = #tpu.pipeline_mode<synchronous>, transform_indices = @transform_13, window_bounds = array<i64: 1, 256>}, {pipeline_mode = #tpu.pipeline_mode<synchronous>, transform_indices = @transform_14, window_bounds = array<i64: 256, 1>}, {pipeline_mode = #tpu.pipeline_mode<synchronous>, transform_indices = @transform_15, window_bounds = array<i64: 1, 1>}, {transform_indices = @transform_16, window_bounds = array<i64: 256, 1>}]} {
    %get3A = arith.constant 0 : index
    %get3A_0 = arith.constant 0 : index
    %get3A_1 = arith.constant 0 : index
    %get3A_2 = vector.load %arg1[%get3A, %get3A_0, %get3A_1] : memref<2x256x128xf32, #tpu.memory_space<vmem>>, vector<1x256x128xf32>
    %get3A_3 = vector.shape_cast %get3A_2 : vector<1x256x128xf32> to vector<256x128xf32>
    %get3A_4 = arith.constant 1 : index
    %get3A_5 = arith.constant 0 : index
    %get3A_6 = arith.constant 0 : index
    %get3A_7 = vector.load %arg1[%get3A_4, %get3A_5, %get3A_6] : memref<2x256x128xf32, #tpu.memory_space<vmem>>, vector<1x256x128xf32>
    %get3A_8 = vector.shape_cast %get3A_7 : vector<1x256x128xf32> to vector<256x128xf32>
    %add3A = arith.addf %get3A_3, %get3A_8 : vector<256x128xf32>
    %get3A_9 = arith.constant 0 : index
    %get3A_10 = arith.constant 0 : index
    %get3A_11 = vector.load %arg5[%get3A_9, %get3A_10] : memref<1x128xf32, #tpu.memory_space<vmem>>, vector<1x128xf32>
    %add3A_12 = vector.broadcast %get3A_11 : vector<1x128xf32> to vector<256x128xf32>
    %add3A_13 = arith.addf %add3A, %add3A_12 : vector<256x128xf32>
    %gt3A = arith.constant 0.000000e+00 : f32
    %gt3A_14 = vector.broadcast %gt3A : f32 to vector<256x128xf32>
    %gt3A_15 = arith.cmpf ogt, %add3A_13, %gt3A_14 : vector<256x128xf32>
    %mul3A = arith.constant 1.000000e-01 : f32
    %mul3A_16 = vector.broadcast %mul3A : f32 to vector<256x128xf32>
    %mul3A_17 = arith.mulf %mul3A_16, %add3A_13 : vector<256x128xf32>
    %select_n3A = arith.select %gt3A_15, %add3A_13, %mul3A_17 : vector<256x128xi1>, vector<256x128xf32>
    %get3A_18 = arith.constant 0 : index
    %get3A_19 = arith.constant 0 : index
    %get3A_20 = vector.load %arg6[%get3A_18, %get3A_19] : memref<128x256xf32, #tpu.memory_space<vmem>>, vector<128x256xf32>
    %dot_general3A = arith.constant dense<0.000000e+00> : vector<256x256xf32>
    %dot_general3A_21 = tpu.matmul %select_n3A, %get3A_20, %dot_general3A {dimension_numbers = #tpu.dot_dimension_numbers<[1], [0], [0], [1], [0, 0, 1, 1], [], []>, precision = #tpu.contract_precision<fp32>, transpose_lhs_hint = false} : vector<256x128xf32>, vector<128x256xf32>, vector<256x256xf32> -> vector<256x256xf32>
    %get3A_22 = arith.constant 0 : index
    %get3A_23 = arith.constant 0 : index
    %get3A_24 = vector.load %arg7[%get3A_22, %get3A_23] : memref<1x256xf32, #tpu.memory_space<vmem>>, vector<1x256xf32>
    %add3A_25 = vector.broadcast %get3A_24 : vector<1x256xf32> to vector<256x256xf32>
    %add3A_26 = arith.addf %dot_general3A_21, %add3A_25 : vector<256x256xf32>
    %get3A_27 = arith.constant 0 : index
    %get3A_28 = arith.constant 0 : index
    %get3A_29 = vector.load %arg2[%get3A_27, %get3A_28] : memref<256x256xf32, #tpu.memory_space<vmem>>, vector<256x256xf32>
    %add3A_30 = arith.addf %add3A_26, %get3A_29 : vector<256x256xf32>
    %get3A_31 = arith.constant 0 : index
    %get3A_32 = arith.constant 0 : index
    %get3A_33 = vector.load %arg3[%get3A_31, %get3A_32] : memref<256x1xi32, #tpu.memory_space<vmem>>, vector<256x1xi32>
    %ne3A = arith.constant 1 : i32
    %ne3A_34 = vector.broadcast %ne3A : i32 to vector<256x1xi32>
    %ne3A_35 = arith.cmpi ne, %get3A_33, %ne3A_34 : vector<256x1xi32>
    %max3A = arith.constant 0.000000e+00 : f32
    %max3A_36 = vector.broadcast %max3A : f32 to vector<256x256xf32>
    %max3A_37 = arith.maximumf %add3A_30, %max3A_36 : vector<256x256xf32>
    %broadcast_in_dim3A = vector.shape_cast %ne3A_35 : vector<256x1xi1> to vector<256x1xi1>
    %broadcast_in_dim3A_38 = vector.broadcast %broadcast_in_dim3A : vector<256x1xi1> to vector<256x256xi1>
    %select_n3A_39 = arith.select %broadcast_in_dim3A_38, %max3A_37, %add3A_30 : vector<256x256xi1>, vector<256x256xf32>
    %get3A_40 = arith.constant 0 : index
    %get3A_41 = arith.constant 0 : index
    %get3A_42 = vector.load %arg4[%get3A_40, %get3A_41] : memref<1x1xf32, #tpu.memory_space<vmem>>, vector<1x1xf32>
    %get3A_43 = arith.constant 0 : index
    %get3A_44 = arith.constant 0 : index
    %get3A_45 = vector.load %arg8[%get3A_43, %get3A_44] : memref<1x128xf32, #tpu.memory_space<vmem>>, vector<1x128xf32>
    %mul3A_46 = vector.broadcast %get3A_42 : vector<1x1xf32> to vector<1x128xf32>
    %mul3A_47 = arith.mulf %mul3A_46, %get3A_45 : vector<1x128xf32>
    %get3A_48 = arith.constant 0 : index
    %get3A_49 = arith.constant 0 : index
    %get3A_50 = vector.load %arg9[%get3A_48, %get3A_49] : memref<1x128xf32, #tpu.memory_space<vmem>>, vector<1x128xf32>
    %add3A_51 = arith.addf %mul3A_47, %get3A_50 : vector<1x128xf32>
    %gt3A_52 = arith.constant 0.000000e+00 : f32
    %gt3A_53 = vector.broadcast %gt3A_52 : f32 to vector<1x128xf32>
    %gt3A_54 = arith.cmpf ogt, %add3A_51, %gt3A_53 : vector<1x128xf32>
    %mul3A_55 = arith.constant 1.000000e-01 : f32
    %mul3A_56 = vector.broadcast %mul3A_55 : f32 to vector<1x128xf32>
    %mul3A_57 = arith.mulf %mul3A_56, %add3A_51 : vector<1x128xf32>
    %select_n3A_58 = arith.select %gt3A_54, %add3A_51, %mul3A_57 : vector<1x128xi1>, vector<1x128xf32>
    %get3A_59 = arith.constant 0 : index
    %get3A_60 = arith.constant 0 : index
    %get3A_61 = vector.load %arg10[%get3A_59, %get3A_60] : memref<128x256xf32, #tpu.memory_space<vmem>>, vector<128x256xf32>
    %dot_general3A_62 = arith.constant dense<0.000000e+00> : vector<1x256xf32>
    %dot_general3A_63 = tpu.matmul %select_n3A_58, %get3A_61, %dot_general3A_62 {dimension_numbers = #tpu.dot_dimension_numbers<[1], [0], [0], [1], [0, 0, 1, 1], [], []>, precision = #tpu.contract_precision<fp32>, transpose_lhs_hint = false} : vector<1x128xf32>, vector<128x256xf32>, vector<1x256xf32> -> vector<1x256xf32>
    %get3A_64 = arith.constant 0 : index
    %get3A_65 = arith.constant 0 : index
    %get3A_66 = vector.load %arg11[%get3A_64, %get3A_65] : memref<1x256xf32, #tpu.memory_space<vmem>>, vector<1x256xf32>
    %add3A_67 = arith.addf %dot_general3A_63, %get3A_66 : vector<1x256xf32>
    %get3A_68 = arith.constant 0 : index
    %get3A_69 = arith.constant 0 : index
    %get3A_70 = vector.load %arg13[%get3A_68, %get3A_69] : memref<256x256xf32, #tpu.memory_space<vmem>>, vector<256x256xf32>
    %dot_general3A_71 = arith.constant dense<0.000000e+00> : vector<1x256xf32>
    %dot_general3A_72 = tpu.matmul %add3A_67, %get3A_70, %dot_general3A_71 {dimension_numbers = #tpu.dot_dimension_numbers<[1], [0], [0], [1], [0, 0, 1, 1], [], []>, precision = #tpu.contract_precision<fp32>, transpose_lhs_hint = false} : vector<1x256xf32>, vector<256x256xf32>, vector<1x256xf32> -> vector<1x256xf32>
    %get3A_73 = arith.constant 0 : index
    %get3A_74 = arith.constant 0 : index
    %get3A_75 = vector.load %arg12[%get3A_73, %get3A_74] : memref<256x256xf32, #tpu.memory_space<vmem>>, vector<256x256xf32>
    %dot_general3A_76 = arith.constant dense<0.000000e+00> : vector<256x256xf32>
    %dot_general3A_77 = tpu.matmul %select_n3A_39, %get3A_75, %dot_general3A_76 {dimension_numbers = #tpu.dot_dimension_numbers<[1], [0], [0], [1], [0, 0, 1, 1], [], []>, precision = #tpu.contract_precision<fp32>, transpose_lhs_hint = false} : vector<256x256xf32>, vector<256x256xf32>, vector<256x256xf32> -> vector<256x256xf32>
    %add3A_78 = vector.broadcast %dot_general3A_72 : vector<1x256xf32> to vector<256x256xf32>
    %add3A_79 = arith.addf %dot_general3A_77, %add3A_78 : vector<256x256xf32>
    %get3A_80 = arith.constant 0 : index
    %get3A_81 = arith.constant 0 : index
    %get3A_82 = vector.load %arg14[%get3A_80, %get3A_81] : memref<1x256xf32, #tpu.memory_space<vmem>>, vector<1x256xf32>
    %add3A_83 = vector.broadcast %get3A_82 : vector<1x256xf32> to vector<256x256xf32>
    %add3A_84 = arith.addf %add3A_79, %add3A_83 : vector<256x256xf32>
    %gt3A_85 = arith.constant 0.000000e+00 : f32
    %gt3A_86 = vector.broadcast %gt3A_85 : f32 to vector<256x256xf32>
    %gt3A_87 = arith.cmpf ogt, %add3A_84, %gt3A_86 : vector<256x256xf32>
    %mul3A_88 = arith.constant 1.000000e-01 : f32
    %mul3A_89 = vector.broadcast %mul3A_88 : f32 to vector<256x256xf32>
    %mul3A_90 = arith.mulf %mul3A_89, %add3A_84 : vector<256x256xf32>
    %select_n3A_91 = arith.select %gt3A_87, %add3A_84, %mul3A_90 : vector<256x256xi1>, vector<256x256xf32>
    %get3A_92 = arith.constant 0 : index
    %get3A_93 = arith.constant 0 : index
    %get3A_94 = vector.load %arg15[%get3A_92, %get3A_93] : memref<256x1xf32, #tpu.memory_space<vmem>>, vector<256x1xf32>
    %dot_general3A_95 = arith.constant dense<0.000000e+00> : vector<256x1xf32>
    %dot_general3A_96 = tpu.matmul %select_n3A_91, %get3A_94, %dot_general3A_95 {dimension_numbers = #tpu.dot_dimension_numbers<[1], [0], [0], [1], [0, 0, 1, 1], [], []>, precision = #tpu.contract_precision<fp32>, transpose_lhs_hint = false} : vector<256x256xf32>, vector<256x1xf32>, vector<256x1xf32> -> vector<256x1xf32>
    %get3A_97 = arith.constant 0 : index
    %get3A_98 = arith.constant 0 : index
    %get3A_99 = vector.load %arg16[%get3A_97, %get3A_98] : memref<1x1xf32, #tpu.memory_space<vmem>>, vector<1x1xf32>
    %add3A_100 = vector.broadcast %get3A_99 : vector<1x1xf32> to vector<256x1xf32>
    %add3A_101 = arith.addf %dot_general3A_96, %add3A_100 : vector<256x1xf32>
    %swap3A = arith.constant 0 : index
    %swap3A_102 = arith.constant 0 : index
    %swap3A_103 = vector.load %arg17[%swap3A, %swap3A_102] : memref<256x1xf32, #tpu.memory_space<vmem>>, vector<256x1xf32>
    tpu.vector_store %arg17[%swap3A, %swap3A_102], %add3A_101 {strides = array<i32>} : memref<256x1xf32, #tpu.memory_space<vmem>>, vector<256x1xf32>,
    return
  }
  func.func @transform_0(%arg0: i32) -> (i32, i32, i32) {
    %c0_i32 = arith.constant 0 : i32
    %c0_i32_0 = arith.constant 0 : i32
    %c0_i32_1 = arith.constant 0 : i32
    return %c0_i32, %arg0, %c0_i32_0 : i32, i32, i32
  }
  func.func @transform_1(%arg0: i32) -> (i32, i32) {
    %c0_i32 = arith.constant 0 : i32
    %c0_i32_0 = arith.constant 0 : i32
    return %arg0, %c0_i32 : i32, i32
  }
  func.func @transform_2(%arg0: i32) -> (i32, i32) {
    %c0_i32 = arith.constant 0 : i32
    %c0_i32_0 = arith.constant 0 : i32
    return %arg0, %c0_i32 : i32, i32
  }
  func.func @transform_3(%arg0: i32) -> (i32, i32) {
    %c0_i32 = arith.constant 0 : i32
    %c0_i32_0 = arith.constant 0 : i32
    %c0_i32_1 = arith.constant 0 : i32
    return %c0_i32, %c0_i32_0 : i32, i32
  }
  func.func @transform_4(%arg0: i32) -> (i32, i32) {
    %c0_i32 = arith.constant 0 : i32
    %c0_i32_0 = arith.constant 0 : i32
    %c0_i32_1 = arith.constant 0 : i32
    return %c0_i32, %c0_i32_0 : i32, i32
  }
  func.func @transform_5(%arg0: i32) -> (i32, i32) {
    %c0_i32 = arith.constant 0 : i32
    %c0_i32_0 = arith.constant 0 : i32
    %c0_i32_1 = arith.constant 0 : i32
    return %c0_i32, %c0_i32_0 : i32, i32
  }
  func.func @transform_6(%arg0: i32) -> (i32, i32) {
    %c0_i32 = arith.constant 0 : i32
    %c0_i32_0 = arith.constant 0 : i32
    %c0_i32_1 = arith.constant 0 : i32
    return %c0_i32, %c0_i32_0 : i32, i32
  }
  func.func @transform_7(%arg0: i32) -> (i32, i32) {
    %c0_i32 = arith.constant 0 : i32
    %c0_i32_0 = arith.constant 0 : i32
    %c0_i32_1 = arith.constant 0 : i32
    return %c0_i32, %c0_i32_0 : i32, i32
  }
  func.func @transform_8(%arg0: i32) -> (i32, i32) {
    %c0_i32 = arith.constant 0 : i32
    %c0_i32_0 = arith.constant 0 : i32
    %c0_i32_1 = arith.constant 0 : i32
    return %c0_i32, %c0_i32_0 : i32, i32
  }
  func.func @transform_9(%arg0: i32) -> (i32, i32) {
    %c0_i32 = arith.constant 0 : i32
    %c0_i32_0 = arith.constant 0 : i32
    %c0_i32_1 = arith.constant 0 : i32
    return %c0_i32, %c0_i32_0 : i32, i32
  }
  func.func @transform_10(%arg0: i32) -> (i32, i32) {
    %c0_i32 = arith.constant 0 : i32
    %c0_i32_0 = arith.constant 0 : i32
    %c0_i32_1 = arith.constant 0 : i32
    return %c0_i32, %c0_i32_0 : i32, i32
  }
  func.func @transform_11(%arg0: i32) -> (i32, i32) {
    %c0_i32 = arith.constant 0 : i32
    %c0_i32_0 = arith.constant 0 : i32
    %c0_i32_1 = arith.constant 0 : i32
    return %c0_i32, %c0_i32_0 : i32, i32
  }
  func.func @transform_12(%arg0: i32) -> (i32, i32) {
    %c0_i32 = arith.constant 0 : i32
    %c0_i32_0 = arith.constant 0 : i32
    %c0_i32_1 = arith.constant 0 : i32
    return %c0_i32, %c0_i32_0 : i32, i32
  }
  func.func @transform_13(%arg0: i32) -> (i32, i32) {
    %c0_i32 = arith.constant 0 : i32
    %c0_i32_0 = arith.constant 0 : i32
    %c0_i32_1 = arith.constant 0 : i32
    return %c0_i32, %c0_i32_0 : i32, i32
  }
  func.func @transform_14(%arg0: i32) -> (i32, i32) {
    %c0_i32 = arith.constant 0 : i32
    %c0_i32_0 = arith.constant 0 : i32
    %c0_i32_1 = arith.constant 0 : i32
    return %c0_i32, %c0_i32_0 : i32, i32
  }
  func.func @transform_15(%arg0: i32) -> (i32, i32) {
    %c0_i32 = arith.constant 0 : i32
    %c0_i32_0 = arith.constant 0 : i32
    %c0_i32_1 = arith.constant 0 : i32
    return %c0_i32, %c0_i32_0 : i32, i32
  }
  func.func @transform_16(%arg0: i32) -> (i32, i32) {
    %c0_i32 = arith.constant 0 : i32
    %c0_i32_0 = arith.constant 0 : i32
    return %arg0, %c0_i32 : i32, i32
  }
}

</mosaic_0001>

<sc_bundles>
// kernel: kernel.5.cloned.1.call-start
scs
__scs_entry_jumppad:
0x0: {  	(pc) =	sbr.rel $0x88, $3  }
0x1: {  	(tag) =	ssettag $0x0;
	lr =	simm.s32 $0x1  }
0x2: {  	[smem:$0x3F89] =	sst lr;
	_ =	strace $0xD0000000  }
0x3: {  	_ = 	snop  }
0x4: {  	_ = 	snop  }
0x5: {  	_ = 	snop  }
0x6: {  	_ = 	snop  }
0x7: {  	_ = 	snop  }
__scs_overlays_trampoline_lowered:
0x8: {  	[smem:$0x3F98] =	sst s0  }
0x9: {  	[smem:$0x3F99] =	sst s1  }
0xa: {  	[smem:$0x3F9A] =	sst s2  }
0xb: {  	[smem:$0x3F9B] =	sst s3  }
0xc: {  	[smem:$0x3F9C] =	sst s4  }
0xd: {  	[smem:$0x3F9D] =	sst s5  }
0xe: {  	[smem:$0x3F9E] =	sst s6  }
0xf: {  	[smem:$0x3F9F] =	sst s7  }
0x10: {  	[smem:$0x3FA0] =	sst s8  }
0x11: {  	[smem:$0x3FA1] =	sst s9;
	s0 =	simm.s32 @!p0 $0x0  }
0x12: {  	s1 =	sld [smem:$0x3F87];
	s0 =	simm.s32 @p0 $0x1  }
0x13: {  	[smem:$0x3FA2] =	sst s0;
	s0 =	simm.s32 @!p1 $0x0  }
0x14: {  	s2 =	sld [smem:$0x3F86];
	s0 =	simm.s32 @p1 $0x1  }
0x15: {  	[smem:$0x3FA3] =	sst s0;
	s0 =	simm.s32 @!p2 $0x0  }
0x16: {  	s3 =	sld [smem:$0x3FDB];
	s0 =	simm.s32 @p2 $0x1  }
0x17: {  	s4 =	simm.s32 $0x1BF5;
	[smem:$0x3FA5] =	sst s0  }
0x18: {  	s0 =	sld [smem:$0x3F88];
	_ =	swait.ge [sflag:s4], $0x0  }
0x19: {  	s7 =	sld [smem:$0x3F89]  }
0x1a: {  	s8 =	sadd.s32 $0xFFFFE003, lr  }
0x1b: {  	s9 =	sadd.s32 $0xFFFFFEF7, lr;
	s5 =	simm.s32 $0xFFFFFFFF;
	p2 =	slt.u32 s8, $0xFFFFF086  }
0x1c: {  	p1 =	slt.u32 s9, $0xF7A;
	s5 =	simm.s32 @!p2 $0x0  }
0x1d: {  	s5 =	simm.s32 @p1 $0x1;
	p0 =	seq.s32 s7, s2  }
0x1e: {  	s7 =	smul.u32 @!p0 $0xF7A, s2;
	p2 =	seq.s32 @!p0 s5, $0x0  }
0x1f: {  	s9 =	smul.u32 $0xF7A, s1;
	s8 =	simm.s32 @!p0 $0x1BF5;
	p2 =	por !p2, p0  }
0x20: {  	[sflag:s8] =	ssyncset.s32 @!p0 $0xFFFFF086;
	s6 =	sadd.s32 @!p0 s3, s7;
	s7 =	simm.s32 @!p0 $0x108  }
0x21: {  	s3 =	sadd.s32 s3, s9;
	s6 =	sadd.s32 @!p0 $0x88, s6;
	s7 =	simm.s32 @p2 $0x1082  }
0x22: {  	[simem:s7], [sflag:s8] =	dma.local @!p0 [hbm:s6], $0xF7A  }
0x23: {  	s9 =	sor.u32 $0xD0000000, s2;
	s6 =	simm.s32 $0x108;
	_ =	swait.ge @!p0 [sflag:s8], $0x0  }
0x24: {  	s3 =	sadd.s32 $0x88, s3;
	s6 =	simm.s32 @!p1 $0x1082;
	[sflag:s4] =	ssyncset.s32 $0xFFFFF086  }
0x25: {  	[simem:s6], [sflag:s4] =	dma.local [hbm:s3], $0xF7A  }
0x26: {  	[smem:$0x3F89] =	sst s1;
	(tag) =	ssettag s2;
	_ =	strace s9  }
0x27: {  	s1 =	sld [smem:$0x3F99]  }
0x28: {  	s2 =	sld [smem:$0x3F9A]  }
0x29: {  	s4 =	sld [smem:$0x3F9C]  }
0x2a: {  	p0 =	seq.s32 s5, $0x0;
	s5 =	sld [smem:$0x3F9D]  }
0x2b: {  	s6 =	sld [smem:$0x3F9E]  }
0x2c: {  	s7 =	sld [smem:$0x3F9F]  }
0x2d: {  	s3 =	simm.s32 $0x108;
	s8 =	sld [smem:$0x3FA0]  }
0x2e: {  	s3 =	simm.s32 @!p0 $0x1082;
	s9 =	sld [smem:$0x3FA1]  }
0x2f: {  	lr =	sadd.s32 s0, s3;
	s0 =	sld [smem:$0x3F98]  }
0x30: {  	s3 =	sld [smem:$0x3F9B]  }
0x31: {  	[smem:$0x3FA4] =	sst s10  }
0x32: {  	s10 =	sld [smem:$0x3FA2];
	_ =	sdelay $0x3  }
0x33: {  	p0 =	seq.s32 s10, $0x1;
	s10 =	sld [smem:$0x3FA4];
	_ =	sdelay $0x3  }
0x34: {  	[smem:$0x3FA4] =	sst s10  }
0x35: {  	s10 =	sld [smem:$0x3FA3];
	_ =	sdelay $0x3  }
0x36: {  	p1 =	seq.s32 s10, $0x1;
	s10 =	sld [smem:$0x3FA4];
	_ =	sdelay $0x3  }
0x37: {  	[smem:$0x3FA4] =	sst s10  }
0x38: {  	s10 =	sld [smem:$0x3FA5]  }
0x39: {  	_ = 	snop;
	(pc) =	sbr.ind lr, $3  }
0x3a: {  	_ = 	snop  }
0x3b: {  	_ = 	snop  }
0x3c: {  	p2 =	seq.s32 s10, $0x1;
	s10 =	sld [smem:$0x3FA4]  }
0x3d: {  	_ =	shalt  }
0x3e: {  	_ =	shalt  }
0x3f: {  	_ =	shalt  }
0x40: {  	_ =	shalt  }
0x41: {  	_ =	shalt  }
0x42: {  	_ =	shalt  }
0x43: {  	_ =	shalt  }
0x44: {  	_ =	shalt  }
0x45: {  	_ =	shalt  }
0x46: {  	_ =	shalt  }
0x47: {  	_ =	shalt  }
0x48: {  	_ =	shalt  }
0x49: {  	_ =	shalt  }
0x4a: {  	_ =	shalt  }
0x4b: {  	_ =	shalt  }
0x4c: {  	_ =	shalt  }
0x4d: {  	_ =	shalt  }
0x4e: {  	_ =	shalt  }
0x4f: {  	_ =	shalt  }
0x50: {  	_ =	shalt  }
0x51: {  	_ =	shalt  }
0x52: {  	_ =	shalt  }
0x53: {  	_ =	shalt  }
0x54: {  	_ =	shalt  }
0x55: {  	_ =	shalt  }
0x56: {  	_ =	shalt  }
0x57: {  	_ =	shalt  }
0x58: {  	_ =	shalt  }
0x59: {  	_ =	shalt  }
0x5a: {  	_ =	shalt  }
0x5b: {  	_ =	shalt  }
0x5c: {  	_ =	shalt  }
0x5d: {  	_ =	shalt  }
0x5e: {  	_ =	shalt  }
0x5f: {  	_ =	shalt  }
0x60: {  	_ =	shalt  }
0x61: {  	_ =	shalt  }
0x62: {  	_ =	shalt  }
0x63: {  	_ =	shalt  }
0x64: {  	_ =	shalt  }
0x65: {  	_ =	shalt  }
0x66: {  	_ =	shalt  }
0x67: {  	_ =	shalt  }
0x68: {  	_ =	shalt  }
0x69: {  	_ =	shalt  }
0x6a: {  	_ =	shalt  }
0x6b: {  	_ =	shalt  }
0x6c: {  	_ =	shalt  }
0x6d: {  	_ =	shalt  }
0x6e: {  	_ =	shalt  }
0x6f: {  	_ =	shalt  }
0x70: {  	_ =	shalt  }
0x71: {  	_ =	shalt  }
0x72: {  	_ =	shalt  }
0x73: {  	_ =	shalt  }
0x74: {  	_ =	shalt  }
0x75: {  	_ =	shalt  }
0x76: {  	_ =	shalt  }
0x77: {  	_ =	shalt  }
0x78: {  	_ =	shalt  }
0x79: {  	_ =	shalt  }
0x7a: {  	_ =	shalt  }
0x7b: {  	_ =	shalt  }
0x7c: {  	_ =	shalt  }
0x7d: {  	_ =	shalt  }
0x7e: {  	_ =	shalt  }
0x7f: {  	_ =	shalt  }
0x80: {  	_ =	shalt  }
0x81: {  	_ =	shalt  }
0x82: {  	_ =	shalt  }
0x83: {  	_ =	shalt  }
0x84: {  	_ =	shalt  }
0x85: {  	_ =	shalt  }
0x86: {  	_ =	shalt  }
0x87: {  	_ =	shalt  }
.Lfunc_end0:
.L_simem_size_0:
called_computation_lowered:
.L_overlay_start_0:
0x88: {  	s2 =	sld [smem:$0x3FD9]  }
0x89: {  	s3 =	sld [smem:$0x3FFE];
	_ =	sdelay $0x1  }
0x8a: {  	s1 =	srdreg.scid  }
0x8b: {  	s0 =	sand.u32 $0x1, s1  }
0x8c: {  	s16 =	sshll.u32 s0, $0xA;
	s2 =	sadd.s32 s3, s2  }
0x8d: {  	s2 =	sadd.s32 s2, s16  }
0x8e: {  	[smem:$0x3FB0] =	sst s2  }
0x8f: {  	_ = 	snop  }
0x90: {  	(tm) =	ssettm $0x1  }
0x91: {  	s17 =	sld [smem:$0x3FFB];
	_ =	sdelay $0x3  }
0x92: {  	_ =	strace s17  }
0x93: {  	s2 =	sld [smem:$0x3FFC];
	_ =	sdelay $0x3  }
0x94: {  	_ =	strace s2  }
0x95: {  	s2 =	sld [smem:$0x3FFD];
	_ =	sdelay $0x3  }
0x96: {  	_ =	strace s2  }
0x97: {  	_ =	strace $0x8FFFFFFF  }
0x98: {  	s18 =	sld [smem:$0x3FDB];
	_ =	sdelay $0x1  }
0x99: {  	s19 =	simm.s32 $_scs_section_size  }
0x9a: {  	s4 =	simm.s32 $_size__tile_overlayer_lowered;
	s5 =	simm.s32 $_tile_overlayer_lowered  }
0x9b: {  	s22 =	simm.s32 $0x1BFF;
	s21 =	sshll.u32 s5, $0x1;
	s2 =	sadd.s32 s19, s18  }
0x9c: {  	s6 =	simm.s32 $0x0;
	s20 =	sshll.u32 s4, $0x1;
	s4 =	sadd.s32 s21, s2  }
0x9d: {  	[timem:s6], [sflag:s22] =	dma.local [hbm:s4], s20  }
0x9e: {  	_ =	swait.ge [sflag:s22], s20  }
0x9f: {  	s3 =	ssub.s32 $0x0, s20;
	[sflag:s22] =	ssyncset.done $0x0  }
0xa0: {  	[sflag:s22] =	ssyncadd.s32 s3;
	_ =	sdelay $0x1  }
0xa1: {  	s23 =	simm.s32 $0x1B8B  }
0xa2: {  	_ =	swait.ge [sflag:s23], $0x1  }
0xa3: {  	[sflag:s23] =	ssyncset.done $0x0  }
0xa4: {  	s25 =	simm.s32 $0x1B8E;
	s24 =	sld [smem:$0x3FFE];
	[sflag:s23] =	ssyncadd.s32 $0xFFFFFFFF  }
0xa5: {  	s26 =	simm.s32 $execute0_lowered;
	[smem:$0x3FD2] =	sst s25  }
0xa6: {  	s4 =	sshll.u32 s26, $0x1;
	_ =	strace $0x80000046;
	[dreg:$0x1] =	wrdreg $0xFFFFFFFF  }
0xa7: {  	s28 =	simm.s32 $_size_execute0_lowered;
	s2 =	sadd.s32 s2, s4;
	[dreg:$0x0] =	wrdreg $0x0  }
0xa8: {  	s4 =	sshll.u32 s28, $0x1;
	[dreg:$0x2] =	wrdreg s2  }
0xa9: {  	[dreg:$0x3] =	wrdreg s4  }
0xaa: {  	[dreg:$0x4] =	wrdreg $0xC0  }
0xab: {  	_ =	task [dreg:s6], $0x5FFFF  }
0xac: {  	[dreg:$0x1] =	wrdreg $0xFFFFFFFF  }
0xad: {  	[dreg:$0x0] =	wrdreg $0x60  }
0xae: {  	[dreg:$0x2] =	wrdreg s24  }
0xaf: {  	[dreg:$0x3] =	wrdreg $0xA8000  }
0xb0: {  	[dreg:$0x4] =	wrdreg $0x9  }
0xb1: {  	_ =	task.clear_ibuf [dreg:s6], $0x5FFFF;
	_ =	strace $0x90000046  }
0xb2: {  	s29 =	simm.s32 $0x9;
	_ =	strace $0x80000048  }
0xb3: {  	_ =	swait.ge [sflag:s29], $0x1  }
0xb4: {  	[sflag:s29] =	ssyncadd.s32 $0xFFFFFFFF  }
0xb5: {  	_ =	strace $0x90000048  }
0xb6: {  	_ =	sfence  }
0xb7: {  	s30 =	sld [smem:$0x0];
	_ =	sdelay $0x2  }
0xb8: {  	s31 =	sshll.u32 s1, $0xD;
	s1 =	sshrl.u32 s1, $0x2  }
0xb9: {  	s3 =	sand.u32 $0x4000, s31;
	s1 =	sadd.s32 s1, s30  }
0xba: {  	s0 =	sor.u32 s3, s0;
	s1 =	sshll.u32 s1, $0x11  }
0xbb: {  	s0 =	sor.u32 s1, s0  }
0xbc: {  	s0 =	sadd.s32 $0x8F2B, s0  }
0xbd: {  	[sflag:s0] =	ssyncadd.remote.s32 $0x1  }
0xbe: {  	_ =	sfence.sel $0xFFFF  }
0xbf: {  	[dreg:$0x0] =	wrdreg $0xFFFFFFFF;
	(pc) =	sbr.abs _section_cstart, $3  }
0xc0: {  	[dreg:$0x1] =	wrdreg $0xFFFFFFFF  }
0xc1: {  	_ =	task.clear_ibuf [dreg:s6], $0x2FFFF;
	_ =	strace $0x9FFFFFFF  }
0xc2: {  	(tm) =	ssettm $0x7FFFFFFF  }
0xc3: {  	_ =	shalt  }
tec
execute0_lowered:
.L_overlay_start_1:
0x0: {  	(tag) =	ssettag $0x1  }
0x1: {  	s6 =	rddreg [dreg:$0x0]  }
0x2: {  	s1 =	rddreg [dreg:$0x1];
	s2 =	srdreg.scid;
	s3 =	simm.s32 $0x0  }
0x3: {  	s0 =	stileid.u32;
	s20 =	simm.s32 $0x7D;
	s28 =	simm.s32 $0x2780  }
0x4: {  	s29 =	simm.s32 $0x0;
	s7 =	sand.u32 $0x1, s2;
	[smem:$0x7FF] =	sst s3  }
0x5: {  	s9 =	smul.u32 $0x14000, s0;
	s4 =	sadd.s32 $0x67800, s6;
	s10 =	sadd.s32 $0x3800, s6  }
0x6: {  	s11 =	sadd.s32 $0xD800, s6;
	s5 =	sadd.s32 $0x8F800, s6;
	s12 =	smul.u32 $0x50000, s0  }
0x7: {  	s24 =	sshll.u32 s0, $0x6;
	s8 =	smul.u32 $0x140000, s7;
	s21 =	ssub.s32 $0x2, s7  }
0x8: {  	_ =	strace $0x80000047;
	s7 =	sshll.u32 s7, $0x4;
	s22 =	sshrl.u32 s21, $0x1  }
0x9: {  	s7 =	sor.u32 s0, s7;
	s23 =	sshrl.u32 s12, $0x2;
	s8 =	sadd.s32 s9, s8  }
0xa: {  	s14 =	ssub.s32 s21, s22;
	s15 =	sadd.s32 s23, s1;
	s25 =	smul.u32 $0x2800, s7  }
0xb: {  	s26 =	smul.u32 $0x500, s7;
	s21 =	simm.s32 $0x2800;
	s22 =	simm.s32 $0x6800  }
0xc: {  	s23 =	simm.s32 $0x1;
	s8 =	sshrl.u32 s8, $0x3;
	s16 =	sadd.s32 $0x4000, s15  }
0xd: {  	s17 =	sadd.s32 $0x8000, s15;
	s18 =	sadd.s32 $0xC000, s15;
	s19 =	sadd.s32 $0x10000, s15  }
0xe: {  	s12 =	smax.u32 s14, $0x1;
	s14 =	simm.s32 $0x3;
	s13 =	sadd.s32 s8, s6  }
0xf: {  	s6 =	sor.u32 $0x1C03, s24;
	s8 =	sshrl.u32 s25, $0x3;
	s30 =	sadd.s32 s10, s26  }
0x10: {  	s24 =	simm.s32 $0x2;
	s25 =	simm.s32 $0x1380;
	[dreg:$0x3] =	wrdreg s30  }
0x11: {  	s31 =	sadd.s32 $0x280, s8;
	s8 =	sadd.s32 s11, s26;
	s26 =	simm.s32 $0x2700  }
0x12: {  	s9 =	sadd.s32 s10, s31;
	s10 =	sadd.s32 s11, s31;
	s11 =	sadd.s32 $0x90000, s13  }
0x13: {  	s13 =	sshrl.u32 s15, $0x3;
	s15 =	sshrl.u32 s16, $0x3;
	s16 =	sshrl.u32 s17, $0x3  }
0x14: {  	s17 =	sshrl.u32 s18, $0x3;
	s18 =	sshrl.u32 s19, $0x3;
	s19 =	simm.s32 $0x1400  }
.LBB2_1:
0x15: {  	[spmem:s13], [sflag:s6] =	dma.local [hbm:s5], $0x800  }
0x16: {  	_ =	swait.ge [sflag:s14], $0x800  }
0x17: {  	[sflag:s14] =	ssyncset.done $0x0  }
0x18: {  	[sflag:s14] =	ssyncadd.s32 $0xFFFFF800  }
0x19: {  	[spmem:s15], [sflag:s6] =	dma.local [hbm:s5], $0x800  }
0x1a: {  	_ =	swait.ge [sflag:s14], $0x800  }
0x1b: {  	[sflag:s14] =	ssyncset.done $0x0  }
0x1c: {  	[sflag:s14] =	ssyncadd.s32 $0xFFFFF800  }
0x1d: {  	[spmem:s16], [sflag:s6] =	dma.local [hbm:s5], $0x800  }
0x1e: {  	_ =	swait.ge [sflag:s14], $0x800  }
0x1f: {  	[sflag:s14] =	ssyncset.done $0x0  }
0x20: {  	[sflag:s14] =	ssyncadd.s32 $0xFFFFF800  }
0x21: {  	[spmem:s17], [sflag:s6] =	dma.local [hbm:s5], $0x800  }
0x22: {  	_ =	swait.ge [sflag:s14], $0x800  }
0x23: {  	[sflag:s14] =	ssyncset.done $0x0  }
0x24: {  	[sflag:s14] =	ssyncadd.s32 $0xFFFFF800  }
0x25: {  	[spmem:s18], [sflag:s6] =	dma.local [hbm:s5], $0x800  }
0x26: {  	_ =	swait.ge [sflag:s14], $0x800  }
0x27: {  	[sflag:s14] =	ssyncset.done $0x0  }
0x28: {  	[sflag:s14] =	ssyncadd.s32 $0xFFFFF800  }
0x29: {  	[bflag:$0x0] =	sbarrier.arrive $0xFFFF  }
0x2a: {  	s0 =	rddreg [dreg:$0x3]  }
0x2b: {  	[tilespmem:s3], [sflag:$0x3] =	stream.linear.gather [hbm4b:s0+s3], $0x1400, $0x38;
	[tilespmem:$0x1E800] =	vst v63  }
0x2c: {  	_ =	swait.ge [sflag:s14], $0x1400  }
0x2d: {  	[sflag:s14] =	ssyncset.done $0x0  }
0x2e: {  	[sflag:s14] =	ssyncadd.s32 $0xFFFFEC00  }
0x2f: {  	[tilespmem:s19], [sflag:$0x3] =	stream.linear.gather [hbm4b:s8+s3], $0x1400, $0x38;
	[tilespmem:$0x1E800] =	vst v63  }
0x30: {  	_ =	swait.ge [sflag:s14], $0x1400  }
0x31: {  	[sflag:s14] =	ssyncset.done $0x0  }
0x32: {  	[sflag:s14] =	ssyncadd.s32 $0xFFFFEC00  }
0x33: {  	[tilespmem:s21], [sflag:$0x1] =	stream.indirect.gather [hbm4b:s4+s20], $0x80, s3, s20, $0xb8;
	[tilespmem:$0x1E800] =	vst v63  }
0x34: {  	s30 =	simm.s32 $0x80  }
0x35: {  	[tilespmem:s22], [sflag:$0x2] =	stream.indirect.gather [hbm4b:s4+s20], $0x80, s30, s20, $0xb8;
	[tilespmem:$0x1E800] =	vst v63  }
0x36: {  	_ =	swait.ge [sflag:s23], $0x3E80  }
0x37: {  	[sflag:s23] =	ssyncset.done $0x0  }
0x38: {  	s30 =	simm.s32 $0x1400;
	[sflag:s23] =	ssyncadd.s32 $0xFFFFC180  }
0x39: {  	[spmem:s1] =	stream.indirect.scatter.add.f32 [tilespmem:s21], [sflag:$0x3], $0x80, s30, s20, $0xb8;
	[tilespmem:$0x1E800] =	vst v63  }
0x3a: {  	_ =	swait.ge [sflag:s14], $0x3E80  }
0x3b: {  	[sflag:s14] =	ssyncset.done $0x0  }
0x3c: {  	s30 =	simm.s32 $0x100;
	[sflag:s14] =	ssyncadd.s32 $0xFFFFC180  }
0x3d: {  	[tilespmem:s21], [sflag:$0x1] =	stream.indirect.gather [hbm4b:s4+s20], $0x80, s30, s20, $0xb8;
	[tilespmem:$0x1E800] =	vst v63  }
0x3e: {  	_ =	swait.ge [sflag:s24], $0x3E80  }
0x3f: {  	[sflag:s24] =	ssyncset.done $0x0  }
0x40: {  	s30 =	simm.s32 $0x1480;
	[sflag:s24] =	ssyncadd.s32 $0xFFFFC180  }
0x41: {  	[spmem:s1] =	stream.indirect.scatter.add.f32 [tilespmem:s22], [sflag:$0x3], $0x80, s30, s20, $0xb8;
	[tilespmem:$0x1E800] =	vst v63  }
0x42: {  	_ =	swait.ge [sflag:s14], $0x3E80  }
0x43: {  	s31 =	simm.s32 $0x800;
	s30 =	simm.s32 $0x100;
	[sflag:s14] =	ssyncset.done $0x0  }
.LBB2_2:
0x44: {  	s0 =	sadd.s32 $0x80, s30  }
0x45: {  	[sflag:s14] =	ssyncadd.s32 $0xFFFFC180;
	s2 =	smov.u32 s31;
	s7 =	sadd.s32 $0x400, s31  }
0x46: {  	[tilespmem:s22], [sflag:$0x2] =	stream.indirect.gather [hbm4b:s4+s20], $0x80, s0, s20, $0xb8;
	[tilespmem:$0x1E800] =	vst v63  }
0x47: {  	p0 =	sne.s32 s31, $0x4800;
	_ =	swait.ge [sflag:s23], $0x3E80  }
0x48: {  	[sflag:s23] =	ssyncset.done $0x0  }
0x49: {  	s0 =	sadd.s32 $0x1400, s30;
	[sflag:s23] =	ssyncadd.s32 $0xFFFFC180  }
0x4a: {  	[spmem:s1] =	stream.indirect.scatter.add.f32 [tilespmem:s21], [sflag:$0x3], $0x80, s0, s20, $0xb8;
	[tilespmem:$0x1E800] =	vst v63  }
0x4b: {  	_ =	swait.ge [sflag:s14], $0x3E80  }
0x4c: {  	[sflag:s14] =	ssyncset.done $0x0  }
0x4d: {  	s0 =	sadd.s32 $0x100, s30;
	[sflag:s14] =	ssyncadd.s32 $0xFFFFC180  }
0x4e: {  	[tilespmem:s21], [sflag:$0x1] =	stream.indirect.gather [hbm4b:s4+s20], $0x80, s0, s20, $0xb8;
	[tilespmem:$0x1E800] =	vst v63  }
0x4f: {  	_ =	swait.ge [sflag:s24], $0x3E80  }
.Ltmp0:
0x50: {  	[sflag:s24] =	ssyncset.done $0x0;
	(pc) =	sbr.rel @p0 .LBB2_2-.Ltmp0, $4  }
0x51: {  	s0 =	sadd.s32 $0x1480, s30;
	[sflag:s24] =	ssyncadd.s32 $0xFFFFC180  }
0x52: {  	[spmem:s1] =	stream.indirect.scatter.add.f32 [tilespmem:s22], [sflag:$0x3], $0x80, s0, s20, $0xb8;
	[tilespmem:$0x1E800] =	vst v63  }
0x53: {  	_ =	swait.ge [sflag:s14], $0x3E80  }
0x54: {  	s31 =	smov.u32 s7;
	s30 =	sshra.s32 s2, $0x2;
	[sflag:s14] =	ssyncset.done $0x0  }
0x55: {  	s0 =	sadd.s32 $0x80, s30;
	[sflag:s14] =	ssyncadd.s32 $0xFFFFC180  }
0x56: {  	[tilespmem:s22], [sflag:$0x2] =	stream.indirect.gather [hbm4b:s4+s20], $0x80, s0, s20, $0xb8;
	[tilespmem:$0x1E800] =	vst v63  }
0x57: {  	_ =	swait.ge [sflag:s23], $0x3E80  }
0x58: {  	[sflag:s23] =	ssyncset.done $0x0  }
0x59: {  	s2 =	sadd.s32 $0x1400, s30;
	[sflag:s23] =	ssyncadd.s32 $0xFFFFC180  }
0x5a: {  	[spmem:s1] =	stream.indirect.scatter.add.f32 [tilespmem:s21], [sflag:$0x3], $0x80, s2, s20, $0xb8;
	[tilespmem:$0x1E800] =	vst v63  }
0x5b: {  	_ =	swait.ge [sflag:s14], $0x3E80  }
0x5c: {  	[sflag:s14] =	ssyncset.done $0x0  }
0x5d: {  	s7 =	sadd.s32 $0x100, s30;
	[sflag:s14] =	ssyncadd.s32 $0xFFFFC180  }
0x5e: {  	[tilespmem:s21], [sflag:$0x1] =	stream.indirect.gather [hbm4b:s4+s20], $0x80, s7, s20, $0xb8;
	[tilespmem:$0x1E800] =	vst v63  }
0x5f: {  	_ =	swait.ge [sflag:s24], $0x3E80  }
0x60: {  	[sflag:s24] =	ssyncset.done $0x0  }
0x61: {  	s2 =	sadd.s32 $0x1480, s30;
	[sflag:s24] =	ssyncadd.s32 $0xFFFFC180  }
0x62: {  	[spmem:s1] =	stream.indirect.scatter.add.f32 [tilespmem:s22], [sflag:$0x3], $0x80, s2, s20, $0xb8;
	[tilespmem:$0x1E800] =	vst v63  }
0x63: {  	_ =	swait.ge [sflag:s14], $0x3E80  }
0x64: {  	[sflag:s14] =	ssyncset.done $0x0  }
0x65: {  	[sflag:s14] =	ssyncadd.s32 $0xFFFFC180  }
0x66: {  	[tilespmem:s22], [sflag:$0x2] =	stream.indirect.gather [hbm4b:s4+s20], $0x80, s25, s20, $0xb8;
	[tilespmem:$0x1E800] =	vst v63  }
0x67: {  	_ =	swait.ge [sflag:s23], $0x3E80  }
0x68: {  	[sflag:s23] =	ssyncset.done $0x0  }
0x69: {  	[sflag:s23] =	ssyncadd.s32 $0xFFFFC180  }
0x6a: {  	[spmem:s1] =	stream.indirect.scatter.add.f32 [tilespmem:s21], [sflag:$0x3], $0x80, s26, s20, $0xb8;
	[tilespmem:$0x1E800] =	vst v63  }
0x6b: {  	_ =	swait.ge [sflag:s14], $0x3E80  }
0x6c: {  	[sflag:s14] =	ssyncset.done $0x0  }
0x6d: {  	[sflag:s14] =	ssyncadd.s32 $0xFFFFC180  }
0x6e: {  	_ =	swait.ge [sflag:s24], $0x3E80  }
0x6f: {  	[sflag:s24] =	ssyncset.done $0x0  }
0x70: {  	[sflag:s24] =	ssyncadd.s32 $0xFFFFC180  }
0x71: {  	[spmem:s1] =	stream.indirect.scatter.add.f32 [tilespmem:s22], [sflag:$0x3], $0x80, s28, s20, $0xb8;
	[tilespmem:$0x1E800] =	vst v63  }
0x72: {  	_ =	swait.ge [sflag:s14], $0x3E80  }
0x73: {  	[sflag:s14] =	ssyncset.done $0x0  }
0x74: {  	s7 =	simm.s32 $0x0;
	[sflag:s14] =	ssyncadd.s32 $0xFFFFC180  }
0x75: {  	[tilespmem:s7], [sflag:$0x3] =	stream.linear.gather [hbm4b:s9+s7], $0x1400, $0x38;
	[tilespmem:$0x1E800] =	vst v63  }
0x76: {  	_ =	swait.ge [sflag:s14], $0x1400  }
0x77: {  	[sflag:s14] =	ssyncset.done $0x0  }
0x78: {  	[sflag:s14] =	ssyncadd.s32 $0xFFFFEC00  }
0x79: {  	[tilespmem:s19], [sflag:$0x3] =	stream.linear.gather [hbm4b:s10+s7], $0x1400, $0x38;
	[tilespmem:$0x1E800] =	vst v63  }
0x7a: {  	_ =	swait.ge [sflag:s14], $0x1400  }
0x7b: {  	[sflag:s14] =	ssyncset.done $0x0  }
0x7c: {  	[sflag:s14] =	ssyncadd.s32 $0xFFFFEC00  }
0x7d: {  	[tilespmem:s21], [sflag:$0x1] =	stream.indirect.gather [hbm4b:s4+s20], $0x80, s7, s20, $0xb8;
	[tilespmem:$0x1E800] =	vst v63  }
0x7e: {  	s2 =	simm.s32 $0x80  }
0x7f: {  	[tilespmem:s22], [sflag:$0x2] =	stream.indirect.gather [hbm4b:s4+s20], $0x80, s2, s20, $0xb8;
	[tilespmem:$0x1E800] =	vst v63  }
0x80: {  	_ =	swait.ge [sflag:s23], $0x3E80  }
0x81: {  	[sflag:s23] =	ssyncset.done $0x0  }
0x82: {  	s7 =	simm.s32 $0x1400;
	[sflag:s23] =	ssyncadd.s32 $0xFFFFC180  }
0x83: {  	[spmem:s1] =	stream.indirect.scatter.add.f32 [tilespmem:s21], [sflag:$0x3], $0x80, s7, s20, $0xb8;
	[tilespmem:$0x1E800] =	vst v63  }
0x84: {  	_ =	swait.ge [sflag:s14], $0x3E80  }
0x85: {  	[sflag:s14] =	ssyncset.done $0x0  }
0x86: {  	s2 =	simm.s32 $0x100;
	[sflag:s14] =	ssyncadd.s32 $0xFFFFC180  }
0x87: {  	[tilespmem:s21], [sflag:$0x1] =	stream.indirect.gather [hbm4b:s4+s20], $0x80, s2, s20, $0xb8;
	[tilespmem:$0x1E800] =	vst v63  }
0x88: {  	_ =	swait.ge [sflag:s24], $0x3E80  }
0x89: {  	[sflag:s24] =	ssyncset.done $0x0  }
0x8a: {  	s7 =	simm.s32 $0x1480;
	[sflag:s24] =	ssyncadd.s32 $0xFFFFC180  }
0x8b: {  	[spmem:s1] =	stream.indirect.scatter.add.f32 [tilespmem:s22], [sflag:$0x3], $0x80, s7, s20, $0xb8;
	[tilespmem:$0x1E800] =	vst v63  }
0x8c: {  	_ =	swait.ge [sflag:s14], $0x3E80  }
0x8d: {  	s31 =	simm.s32 $0x800;
	s30 =	simm.s32 $0x100;
	[sflag:s14] =	ssyncset.done $0x0  }
.LBB2_4:
0x8e: {  	s0 =	sadd.s32 $0x80, s30  }
0x8f: {  	[sflag:s14] =	ssyncadd.s32 $0xFFFFC180;
	s2 =	smov.u32 s31;
	s7 =	sadd.s32 $0x400, s31  }
0x90: {  	[tilespmem:s22], [sflag:$0x2] =	stream.indirect.gather [hbm4b:s4+s20], $0x80, s0, s20, $0xb8;
	[tilespmem:$0x1E800] =	vst v63  }
0x91: {  	p0 =	sne.s32 s31, $0x4800;
	_ =	swait.ge [sflag:s23], $0x3E80  }
0x92: {  	[sflag:s23] =	ssyncset.done $0x0  }
0x93: {  	s0 =	sadd.s32 $0x1400, s30;
	[sflag:s23] =	ssyncadd.s32 $0xFFFFC180  }
0x94: {  	[spmem:s1] =	stream.indirect.scatter.add.f32 [tilespmem:s21], [sflag:$0x3], $0x80, s0, s20, $0xb8;
	[tilespmem:$0x1E800] =	vst v63  }
0x95: {  	_ =	swait.ge [sflag:s14], $0x3E80  }
0x96: {  	[sflag:s14] =	ssyncset.done $0x0  }
0x97: {  	s0 =	sadd.s32 $0x100, s30;
	[sflag:s14] =	ssyncadd.s32 $0xFFFFC180  }
0x98: {  	[tilespmem:s21], [sflag:$0x1] =	stream.indirect.gather [hbm4b:s4+s20], $0x80, s0, s20, $0xb8;
	[tilespmem:$0x1E800] =	vst v63  }
0x99: {  	_ =	swait.ge [sflag:s24], $0x3E80  }
.Ltmp1:
0x9a: {  	[sflag:s24] =	ssyncset.done $0x0;
	(pc) =	sbr.rel @p0 .LBB2_4-.Ltmp1, $4  }
0x9b: {  	s0 =	sadd.s32 $0x1480, s30;
	[sflag:s24] =	ssyncadd.s32 $0xFFFFC180  }
0x9c: {  	[spmem:s1] =	stream.indirect.scatter.add.f32 [tilespmem:s22], [sflag:$0x3], $0x80, s0, s20, $0xb8;
	[tilespmem:$0x1E800] =	vst v63  }
0x9d: {  	_ =	swait.ge [sflag:s14], $0x3E80  }
0x9e: {  	s31 =	smov.u32 s7;
	s30 =	sshra.s32 s2, $0x2;
	[sflag:s14] =	ssyncset.done $0x0  }
0x9f: {  	s0 =	sadd.s32 $0x80, s30;
	[sflag:s14] =	ssyncadd.s32 $0xFFFFC180  }
0xa0: {  	[tilespmem:s22], [sflag:$0x2] =	stream.indirect.gather [hbm4b:s4+s20], $0x80, s0, s20, $0xb8;
	[tilespmem:$0x1E800] =	vst v63  }
0xa1: {  	_ =	swait.ge [sflag:s23], $0x3E80  }
0xa2: {  	[sflag:s23] =	ssyncset.done $0x0  }
0xa3: {  	s2 =	sadd.s32 $0x1400, s30;
	[sflag:s23] =	ssyncadd.s32 $0xFFFFC180  }
0xa4: {  	[spmem:s1] =	stream.indirect.scatter.add.f32 [tilespmem:s21], [sflag:$0x3], $0x80, s2, s20, $0xb8;
	[tilespmem:$0x1E800] =	vst v63  }
0xa5: {  	_ =	swait.ge [sflag:s14], $0x3E80  }
0xa6: {  	[sflag:s14] =	ssyncset.done $0x0  }
0xa7: {  	s7 =	sadd.s32 $0x100, s30;
	[sflag:s14] =	ssyncadd.s32 $0xFFFFC180  }
0xa8: {  	[tilespmem:s21], [sflag:$0x1] =	stream.indirect.gather [hbm4b:s4+s20], $0x80, s7, s20, $0xb8;
	[tilespmem:$0x1E800] =	vst v63  }
0xa9: {  	_ =	swait.ge [sflag:s24], $0x3E80  }
0xaa: {  	[sflag:s24] =	ssyncset.done $0x0  }
0xab: {  	s31 =	sadd.s32 $0x1480, s30;
	[sflag:s24] =	ssyncadd.s32 $0xFFFFC180  }
0xac: {  	[spmem:s1] =	stream.indirect.scatter.add.f32 [tilespmem:s22], [sflag:$0x3], $0x80, s31, s20, $0xb8;
	[tilespmem:$0x1E800] =	vst v63  }
0xad: {  	_ =	swait.ge [sflag:s14], $0x3E80  }
0xae: {  	[sflag:s14] =	ssyncset.done $0x0  }
0xaf: {  	[sflag:s14] =	ssyncadd.s32 $0xFFFFC180  }
0xb0: {  	[tilespmem:s22], [sflag:$0x2] =	stream.indirect.gather [hbm4b:s4+s20], $0x80, s25, s20, $0xb8;
	[tilespmem:$0x1E800] =	vst v63  }
0xb1: {  	_ =	swait.ge [sflag:s23], $0x3E80  }
0xb2: {  	[sflag:s23] =	ssyncset.done $0x0  }
0xb3: {  	[sflag:s23] =	ssyncadd.s32 $0xFFFFC180  }
0xb4: {  	[spmem:s1] =	stream.indirect.scatter.add.f32 [tilespmem:s21], [sflag:$0x3], $0x80, s26, s20, $0xb8;
	[tilespmem:$0x1E800] =	vst v63  }
0xb5: {  	_ =	swait.ge [sflag:s14], $0x3E80  }
0xb6: {  	[sflag:s14] =	ssyncset.done $0x0  }
0xb7: {  	[sflag:s14] =	ssyncadd.s32 $0xFFFFC180  }
0xb8: {  	_ =	swait.ge [sflag:s24], $0x3E80  }
0xb9: {  	[sflag:s24] =	ssyncset.done $0x0  }
0xba: {  	[sflag:s24] =	ssyncadd.s32 $0xFFFFC180  }
0xbb: {  	[spmem:s1] =	stream.indirect.scatter.add.f32 [tilespmem:s22], [sflag:$0x3], $0x80, s28, s20, $0xb8;
	[tilespmem:$0x1E800] =	vst v63  }
0xbc: {  	_ =	swait.ge [sflag:s14], $0x3E80  }
0xbd: {  	s29 =	sadd.s32 $0x1, s29;
	[sflag:s14] =	ssyncset.done $0x0  }
0xbe: {  	p0 =	sne.s32 s29, s12;
	[sflag:s14] =	ssyncadd.s32 $0xFFFFC180  }
.Ltmp2:
0xbf: {  	[bflag:$0x0] =	sbarrier.arrive $0xFFFF;
	(pc) =	sbr.rel @p0 .LBB2_1-.Ltmp2, $4  }
0xc0: {  	[hbm:s11], [sflag:s6] =	dma.local [spmem:s13], $0x2800  }
0xc1: {  	_ =	swait.ge [sflag:s14], $0x2800  }
0xc2: {  	[sflag:s14] =	ssyncset.done $0x0  }
0xc3: {  	[sflag:s14] =	ssyncadd.s32 $0xFFFFD800  }
0xc4: {  	_ =	sfence.sel $0x180000  }
0xc5: {  	[bflag:$0x0] =	sbarrier.arrive $0xFFFF  }
0xc6: {  	_ =	strace $0x90000047  }
0xc7: {  	s0 =	stileid.u32;
	[bflag:$0x2] =	sbarrier.arrive $0xFFFF  }
0xc8: {  	p0 =	sne.s32 s0, $0x0;
	s0 =	rddreg [dreg:$0x2]  }
0xc9: {  	s0 =	sadd.s32 @!p0 $0x100000, s0  }
0xca: {  	[sflag:s0] =	ssyncadd.tile.s32 @!p0 $0x1;
	_ =	shalt  }
.Lfunc_end2:
_tile_overlayer_lowered:
.L_overlay_start_2:
0xcb: {  	(tag) =	ssettag $0x2  }
0xcc: {  	s0 =	rddreg [dreg:$0x0];
	s2 =	stileid.u32  }
0xcd: {  	s1 =	rddreg [dreg:$0x1];
	p0 =	sne.s32 s2, $0x0  }
0xce: {  	s3 =	rddreg [dreg:$0x2];
	[bflag:$0x3] =	sbarrier.arrive $0xFFFF;
	s2 =	simm.s32 @!p0 $0x1C03  }
0xcf: {  	[timem:s3], [sflag:s2] =	dma.local @!p0 [hbm:s0], s1  }
0xd0: {  	s0 =	simm.s32 @!p0 $0x3  }
0xd1: {  	_ =	swait.ge @!p0 [sflag:s0], s1  }
0xd2: {  	s1 =	ssub.s32 @!p0 $0x0, s1;
	[sflag:s0] =	ssyncset.done @!p0 $0x0  }
0xd3: {  	[sflag:s0] =	ssyncadd.s32 @!p0 s1  }
0xd4: {  	[bflag:$0x3] =	sbarrier.arrive $0xFFFF  }
0xd5: {  	_ =	shalt  }

</sc_bundles>
